<compile_context>
chip_gen: v7x
topology: tpu7x:2x2x1
jax: 0.10.2.dev20260603
libtpu: 0.0.44.dev20260713+nightly
codegen_flags: <defaults>
</compile_context>

<pallas_src>
import functools

import jax
import jax.numpy as jnp
from jax import lax
from jax.experimental import pallas as pl
from jax.experimental.pallas import tpu as pltpu
from jax.experimental.pallas import tpu_sc as plsc

VOCAB = 1000000
DIM = 32
BATCH = 16384

NUM_CORES = 2
NUM_SUBCORES = 16
LANES = 16
NW = NUM_CORES * NUM_SUBCORES
BPW = BATCH // NW
GROUPS = BPW // LANES

_DNUMS = jax.lax.GatherDimensionNumbers(
    offset_dims=(), collapsed_slice_dims=(0,), start_index_map=(0,))


def _permute(v, idx):
    return jax.lax.gather(
        v, idx.reshape(LANES, 1), _DNUMS, slice_sizes=(1,),
        mode=jax.lax.GatherScatterMode.PROMISE_IN_BOUNDS)


def _sc_kernel_body(word_hbm, ctx_hbm, ht_hbm, ct_hbm, out_hbm,
                    wi_v, ci_v, wr_v, cr_v, o_v, sem_w, sem_c):
    wid = lax.axis_index("s") * NUM_CORES + lax.axis_index("c")
    base = wid * BPW

    pltpu.sync_copy(word_hbm.at[pl.ds(base, BPW)], wi_v)
    pltpu.sync_copy(ctx_hbm.at[pl.ds(base, BPW)], ci_v)
    cp_w = pltpu.async_copy(ht_hbm.at[wi_v], wr_v, sem_w)
    cp_c = pltpu.async_copy(ct_hbm.at[ci_v], cr_v, sem_c)
    cp_w.wait()
    cp_c.wait()

    def group_body(g, _):
        row0 = g * LANES
        acc = jnp.zeros((LANES,), jnp.float32)
        for i in range(LANES):
            r = row0 + i
            wa = wr_v[r, pl.ds(0, LANES)]
            wb = wr_v[r, pl.ds(LANES, LANES)]
            ca = cr_v[r, pl.ds(0, LANES)]
            cb = cr_v[r, pl.ds(LANES, LANES)]
            p = wa * ca + wb * cb
            for sh in (8, 4, 2, 1):
                p = p + _permute(p, jnp.bitwise_xor(lax.iota(jnp.int32, LANES), sh))
            acc = jnp.where(lax.iota(jnp.int32, LANES) == i, p, acc)
        o_v[pl.ds(row0, LANES)] = 1.0 / (1.0 + jnp.exp(-acc))
        return 0

    lax.fori_loop(0, GROUPS, group_body, 0)
    pltpu.sync_copy(o_v, out_hbm.at[pl.ds(base, BPW)])


_sc_call = functools.partial(
    pl.kernel,
    out_type=jax.ShapeDtypeStruct((BATCH,), jnp.float32),
    mesh=plsc.VectorSubcoreMesh(
        core_axis_name="c", subcore_axis_name="s",
        num_cores=NUM_CORES, num_subcores=NUM_SUBCORES),
    compiler_params=pltpu.CompilerParams(use_tc_tiling_on_sc=False),
    scratch_types=[
        pltpu.VMEM((BPW,), jnp.int32),
        pltpu.VMEM((BPW,), jnp.int32),
        pltpu.VMEM((BPW, DIM), jnp.float32),
        pltpu.VMEM((BPW, DIM), jnp.float32),
        pltpu.VMEM((BPW,), jnp.float32),
        pltpu.SemaphoreType.DMA,
        pltpu.SemaphoreType.DMA,
    ],
)(_sc_kernel_body)


def kernel(word, context, hidden_table, context_table):
    out = _sc_call(word.astype(jnp.int32), context.astype(jnp.int32),
                   hidden_table, context_table)
    return out.reshape(BATCH, 1)

# --- scband reference (transcript-rebuilt; emitter-appended) ---
"""Pipeline reference for scband-w2-v-61795989455290 (READ-ONLY COPY).

The authoritative reference and input builder live on the scoring server;
editing this copy changes nothing except your own understanding.
"""

import jax, jax.numpy as jnp
import numpy as np

VOCAB = 1000000
DIM = 32
BATCH = 16384

def setup_inputs(seed: int = 0) -> dict:
    key = jax.random.key(seed)
    k1, k2, k3, k4 = jax.random.split(key, 4)
    word = jax.random.randint(k1, (BATCH,), 0, VOCAB, dtype=jnp.int64 if jax.config.jax_enable_x64 else jnp.int32)
    context = jax.random.randint(k2, (BATCH,), 0, VOCAB, dtype=jnp.int64 if jax.config.jax_enable_x64 else jnp.int32)
    hidden_table = jax.random.normal(k3, (VOCAB, DIM), dtype=jnp.float32) * 0.02
    context_table = jax.random.normal(k4, (VOCAB, DIM), dtype=jnp.float32) * 0.02
    return {"word": word, "context": context, "hidden_table": hidden_table, "context_table": context_table}

def reference(word, context, hidden_table, context_table):
    # Embedding lookups (gather)
    w = jnp.take(hidden_table, word, axis=0)       # [B, D]
    c = jnp.take(context_table, context, axis=0)   # [B, D]
    # keras dot([w, c], axes=1) -> [B, 1]
    dot_product = jnp.sum(w * c, axis=1, keepdims=True)
    return jax.nn.sigmoid(dot_product)

if __name__ == "__main__":
    import jax
    _d = setup_inputs()
    print(jax.jit(kernel)(*tuple(_d.values())))

</pallas_src>

<mosaic_0001>
#map = affine_map<(d0, d1) -> (0)>
#map1 = affine_map<(d0, d1) -> (0, 0)>
module attributes {stable_mosaic.version = 14 : i64} {
  func.func @_sc_kernel_body(%arg0: i32, %arg1: i32, %arg2: memref<16384xi32, #tpu.memory_space<hbm>>, %arg3: memref<16384xi32, #tpu.memory_space<hbm>>, %arg4: memref<1000000x32xf32, #tpu.memory_space<hbm>>, %arg5: memref<1000000x32xf32, #tpu.memory_space<hbm>>, %arg6: memref<16384xf32, #tpu.memory_space<hbm>>, %arg7: memref<512xi32, #tpu.memory_space<vmem>>, %arg8: memref<512xi32, #tpu.memory_space<vmem>>, %arg9: memref<512x32xf32, #tpu.memory_space<vmem>>, %arg10: memref<512x32xf32, #tpu.memory_space<vmem>>, %arg11: memref<512xf32, #tpu.memory_space<vmem>>, %arg12: memref<!tpu.dma_semaphore, #tpu.memory_space<semaphore_mem>>, %arg13: memref<!tpu.dma_semaphore, #tpu.memory_space<semaphore_mem>>) attributes {dimension_semantics = [#tpu.dimension_semantics<core_parallel>, #tpu.dimension_semantics<subcore_parallel>], iteration_bounds = array<i64: 2, 16>, scalar_prefetch = 0 : i64, scratch_operands = 7 : i64, tpu.core_type = #tpu.core_type<sc_vector_subcore>, window_params = [{transform_indices = #map}, {transform_indices = #map}, {transform_indices = #map1}, {transform_indices = #map1}, {transform_indices = #map}]} {
    %mul3A = arith.constant 2 : i32
    %mul3A_0 = arith.muli %arg1, %mul3A : i32
    %add3A = arith.addi %mul3A_0, %arg0 : i32
    %mul3A_1 = arith.constant 512 : i32
    %mul3A_2 = arith.muli %add3A, %mul3A_1 : i32
    "tpu.region"() ({
      %run_scoped3A = tpu.sem_alloc : memref<!tpu.dma_semaphore, #tpu.memory_space<semaphore_mem>>
      %dma_start3A_19 = tpu.memref_slice %arg2[%mul3A_2] : memref<16384xi32, #tpu.memory_space<hbm>> -> memref<512xi32, #tpu.memory_space<hbm>>
      %dma_start3A_20 = tpu.memref_slice %arg2[%mul3A_2] : memref<16384xi32, #tpu.memory_space<hbm>> -> memref<512xi32, #tpu.memory_space<hbm>>
      tpu.enqueue_dma source(%dma_start3A_20 : memref<512xi32, #tpu.memory_space<hbm>>) target(%arg7 : memref<512xi32, #tpu.memory_space<vmem>>) target_semaphore(%run_scoped3A : memref<!tpu.dma_semaphore, #tpu.memory_space<semaphore_mem>>)
      %dma_wait3A_21 = tpu.memref_slice %arg2[%mul3A_2] : memref<16384xi32, #tpu.memory_space<hbm>> -> memref<512xi32, #tpu.memory_space<hbm>>
      %dma_wait3A_22 = tpu.memref_slice %arg2[%mul3A_2] : memref<16384xi32, #tpu.memory_space<hbm>> -> memref<512xi32, #tpu.memory_space<hbm>>
      tpu.wait_dma2 semaphore(%run_scoped3A : memref<!tpu.dma_semaphore, #tpu.memory_space<semaphore_mem>>) src(%dma_wait3A_22 : memref<512xi32, #tpu.memory_space<hbm>>) dst(%arg7 : memref<512xi32, #tpu.memory_space<vmem>>)
      tpu.yield
    }) : () -> ()
    "tpu.region"() ({
      %run_scoped3A = tpu.sem_alloc : memref<!tpu.dma_semaphore, #tpu.memory_space<semaphore_mem>>
      %dma_start3A_19 = tpu.memref_slice %arg3[%mul3A_2] : memref<16384xi32, #tpu.memory_space<hbm>> -> memref<512xi32, #tpu.memory_space<hbm>>
      %dma_start3A_20 = tpu.memref_slice %arg3[%mul3A_2] : memref<16384xi32, #tpu.memory_space<hbm>> -> memref<512xi32, #tpu.memory_space<hbm>>
      tpu.enqueue_dma source(%dma_start3A_20 : memref<512xi32, #tpu.memory_space<hbm>>) target(%arg8 : memref<512xi32, #tpu.memory_space<vmem>>) target_semaphore(%run_scoped3A : memref<!tpu.dma_semaphore, #tpu.memory_space<semaphore_mem>>)
      %dma_wait3A_21 = tpu.memref_slice %arg3[%mul3A_2] : memref<16384xi32, #tpu.memory_space<hbm>> -> memref<512xi32, #tpu.memory_space<hbm>>
      %dma_wait3A_22 = tpu.memref_slice %arg3[%mul3A_2] : memref<16384xi32, #tpu.memory_space<hbm>> -> memref<512xi32, #tpu.memory_space<hbm>>
      tpu.wait_dma2 semaphore(%run_scoped3A : memref<!tpu.dma_semaphore, #tpu.memory_space<semaphore_mem>>) src(%dma_wait3A_22 : memref<512xi32, #tpu.memory_space<hbm>>) dst(%arg8 : memref<512xi32, #tpu.memory_space<vmem>>)
      tpu.yield
    }) : () -> ()
    %dma_start3A = arith.constant 0 : i32
    %dma_start3A_3 = arith.constant 0 : i32
    %dma_start3A_4 = tpu.memref_slice %arg4[%dma_start3A, %dma_start3A_3] : memref<1000000x32xf32, #tpu.memory_space<hbm>> -> memref<1000000x32xf32, #tpu.memory_space<hbm>>
    tpu.enqueue_indirect_dma source(%dma_start3A_4 : memref<1000000x32xf32, #tpu.memory_space<hbm>>) target(%arg9 : memref<512x32xf32, #tpu.memory_space<vmem>>) offsets(%arg7 : memref<512xi32, #tpu.memory_space<vmem>>) semaphore(%arg12 : memref<!tpu.dma_semaphore, #tpu.memory_space<semaphore_mem>>)
    %dma_start3A_5 = arith.constant 0 : i32
    %dma_start3A_6 = arith.constant 0 : i32
    %dma_start3A_7 = tpu.memref_slice %arg5[%dma_start3A_5, %dma_start3A_6] : memref<1000000x32xf32, #tpu.memory_space<hbm>> -> memref<1000000x32xf32, #tpu.memory_space<hbm>>
    tpu.enqueue_indirect_dma source(%dma_start3A_7 : memref<1000000x32xf32, #tpu.memory_space<hbm>>) target(%arg10 : memref<512x32xf32, #tpu.memory_space<vmem>>) offsets(%arg8 : memref<512xi32, #tpu.memory_space<vmem>>) semaphore(%arg13 : memref<!tpu.dma_semaphore, #tpu.memory_space<semaphore_mem>>)
    %dma_wait3A = arith.constant 0 : i32
    %dma_wait3A_8 = arith.constant 0 : i32
    %dma_wait3A_9 = tpu.memref_slice %arg4[%dma_wait3A, %dma_wait3A_8] : memref<1000000x32xf32, #tpu.memory_space<hbm>> -> memref<1000000x32xf32, #tpu.memory_space<hbm>>
    tpu.wait_indirect_dma semaphore(%arg12 : memref<!tpu.dma_semaphore, #tpu.memory_space<semaphore_mem>>) src(%dma_wait3A_9 : memref<1000000x32xf32, #tpu.memory_space<hbm>>) dst(%arg9 : memref<512x32xf32, #tpu.memory_space<vmem>>)
    %dma_wait3A_10 = arith.constant 0 : i32
    %dma_wait3A_11 = arith.constant 0 : i32
    %dma_wait3A_12 = tpu.memref_slice %arg5[%dma_wait3A_10, %dma_wait3A_11] : memref<1000000x32xf32, #tpu.memory_space<hbm>> -> memref<1000000x32xf32, #tpu.memory_space<hbm>>
    tpu.wait_indirect_dma semaphore(%arg13 : memref<!tpu.dma_semaphore, #tpu.memory_space<semaphore_mem>>) src(%dma_wait3A_12 : memref<1000000x32xf32, #tpu.memory_space<hbm>>) dst(%arg10 : memref<512x32xf32, #tpu.memory_space<vmem>>)
    %scan3A = arith.constant 0 : i32
    %scan3A_13 = arith.constant 0 : i32
    %scan3A_14 = arith.constant 32 : i32
    %scan3A_15 = arith.addi %scan3A_13, %scan3A_14 : i32
    %scan3A_16 = arith.constant 1 : i32
    %scan3A_17 = scf.for %scan3A_19 = %scan3A_13 to %scan3A_15 step %scan3A_16 iter_args(%scan3A_20 = %scan3A) -> (i32)  : i32 {
      %mul3A_21 = arith.constant 16 : i32
      %mul3A_22 = arith.muli %scan3A_19, %mul3A_21 : i32
      %broadcast_in_dim3A = arith.constant 0.000000e+00 : f32
      %broadcast_in_dim3A_23 = vector.broadcast %broadcast_in_dim3A : f32 to vector<16xf32>
      %add3A_24 = arith.constant 0 : i32
      %add3A_25 = arith.addi %mul3A_22, %add3A_24 : i32
      %get3A = arith.index_cast %add3A_25 : i32 to index
      %get3A_26 = arith.constant 0 : index
      %get3A_27 = tpu.vector_load %arg9[%get3A, %get3A_26] {strides = array<i32>} : memref<512x32xf32, #tpu.memory_space<vmem>>, vector<1x16xf32>,
      %get3A_28 = vector.shape_cast %get3A_27 : vector<1x16xf32> to vector<16xf32>
      %get3A_29 = arith.index_cast %add3A_25 : i32 to index
      %get3A_30 = arith.constant 16 : index
      %get3A_31 = tpu.vector_load %arg9[%get3A_29, %get3A_30] {strides = array<i32>} : memref<512x32xf32, #tpu.memory_space<vmem>>, vector<1x16xf32>,
      %get3A_32 = vector.shape_cast %get3A_31 : vector<1x16xf32> to vector<16xf32>
      %get3A_33 = arith.index_cast %add3A_25 : i32 to index
      %get3A_34 = arith.constant 0 : index
      %get3A_35 = tpu.vector_load %arg10[%get3A_33, %get3A_34] {strides = array<i32>} : memref<512x32xf32, #tpu.memory_space<vmem>>, vector<1x16xf32>,
      %get3A_36 = vector.shape_cast %get3A_35 : vector<1x16xf32> to vector<16xf32>
      %get3A_37 = arith.index_cast %add3A_25 : i32 to index
      %get3A_38 = arith.constant 16 : index
      %get3A_39 = tpu.vector_load %arg10[%get3A_37, %get3A_38] {strides = array<i32>} : memref<512x32xf32, #tpu.memory_space<vmem>>, vector<1x16xf32>,
      %get3A_40 = vector.shape_cast %get3A_39 : vector<1x16xf32> to vector<16xf32>
      %mul3A_41 = arith.mulf %get3A_28, %get3A_36 : vector<16xf32>
      %mul3A_42 = arith.mulf %get3A_32, %get3A_40 : vector<16xf32>
      %add3A_43 = arith.addf %mul3A_41, %mul3A_42 : vector<16xf32>
      %iota3A = tpu.iota {dimensions = array<i32: 0>} : vector<16xi32>
      %xor3A = arith.constant 8 : i32
      %xor3A_44 = vector.broadcast %xor3A : i32 to vector<16xi32>
      %xor3A_45 = arith.xori %iota3A, %xor3A_44 : vector<16xi32>
      %reshape3A = vector.shape_cast %xor3A_45 : vector<16xi32> to vector<16x1xi32>
      %gather3A = vector.shape_cast %reshape3A : vector<16x1xi32> to vector<16xi32>
      %gather3A_46 = tpu.dynamic_gather %add3A_43[%gather3A] in [0] : vector<16xf32>, vector<16xi32> -> vector<16xf32>
      %add3A_47 = arith.addf %add3A_43, %gather3A_46 : vector<16xf32>
      %iota3A_48 = tpu.iota {dimensions = array<i32: 0>} : vector<16xi32>
      %xor3A_49 = arith.constant 4 : i32
      %xor3A_50 = vector.broadcast %xor3A_49 : i32 to vector<16xi32>
      %xor3A_51 = arith.xori %iota3A_48, %xor3A_50 : vector<16xi32>
      %reshape3A_52 = vector.shape_cast %xor3A_51 : vector<16xi32> to vector<16x1xi32>
      %gather3A_53 = vector.shape_cast %reshape3A_52 : vector<16x1xi32> to vector<16xi32>
      %gather3A_54 = tpu.dynamic_gather %add3A_47[%gather3A_53] in [0] : vector<16xf32>, vector<16xi32> -> vector<16xf32>
      %add3A_55 = arith.addf %add3A_47, %gather3A_54 : vector<16xf32>
      %iota3A_56 = tpu.iota {dimensions = array<i32: 0>} : vector<16xi32>
      %xor3A_57 = arith.constant 2 : i32
      %xor3A_58 = vector.broadcast %xor3A_57 : i32 to vector<16xi32>
      %xor3A_59 = arith.xori %iota3A_56, %xor3A_58 : vector<16xi32>
      %reshape3A_60 = vector.shape_cast %xor3A_59 : vector<16xi32> to vector<16x1xi32>
      %gather3A_61 = vector.shape_cast %reshape3A_60 : vector<16x1xi32> to vector<16xi32>
      %gather3A_62 = tpu.dynamic_gather %add3A_55[%gather3A_61] in [0] : vector<16xf32>, vector<16xi32> -> vector<16xf32>
      %add3A_63 = arith.addf %add3A_55, %gather3A_62 : vector<16xf32>
      %iota3A_64 = tpu.iota {dimensions = array<i32: 0>} : vector<16xi32>
      %xor3A_65 = arith.constant 1 : i32
      %xor3A_66 = vector.broadcast %xor3A_65 : i32 to vector<16xi32>
      %xor3A_67 = arith.xori %iota3A_64, %xor3A_66 : vector<16xi32>
      %reshape3A_68 = vector.shape_cast %xor3A_67 : vector<16xi32> to vector<16x1xi32>
      %gather3A_69 = vector.shape_cast %reshape3A_68 : vector<16x1xi32> to vector<16xi32>
      %gather3A_70 = tpu.dynamic_gather %add3A_63[%gather3A_69] in [0] : vector<16xf32>, vector<16xi32> -> vector<16xf32>
      %add3A_71 = arith.addf %add3A_63, %gather3A_70 : vector<16xf32>
      %iota3A_72 = tpu.iota {dimensions = array<i32: 0>} : vector<16xi32>
      %eq3A = arith.constant 0 : i32
      %eq3A_73 = vector.broadcast %eq3A : i32 to vector<16xi32>
      %eq3A_74 = arith.cmpi eq, %iota3A_72, %eq3A_73 : vector<16xi32>
      %select_n3A = arith.select %eq3A_74, %add3A_71, %broadcast_in_dim3A_23 : vector<16xi1>, vector<16xf32>
      %add3A_75 = arith.constant 1 : i32
      %add3A_76 = arith.addi %mul3A_22, %add3A_75 : i32
      %get3A_77 = arith.index_cast %add3A_76 : i32 to index
      %get3A_78 = arith.constant 0 : index
      %get3A_79 = tpu.vector_load %arg9[%get3A_77, %get3A_78] {strides = array<i32>} : memref<512x32xf32, #tpu.memory_space<vmem>>, vector<1x16xf32>,
      %get3A_80 = vector.shape_cast %get3A_79 : vector<1x16xf32> to vector<16xf32>
      %get3A_81 = arith.index_cast %add3A_76 : i32 to index
      %get3A_82 = arith.constant 16 : index
      %get3A_83 = tpu.vector_load %arg9[%get3A_81, %get3A_82] {strides = array<i32>} : memref<512x32xf32, #tpu.memory_space<vmem>>, vector<1x16xf32>,
      %get3A_84 = vector.shape_cast %get3A_83 : vector<1x16xf32> to vector<16xf32>
      %get3A_85 = arith.index_cast %add3A_76 : i32 to index
      %get3A_86 = arith.constant 0 : index
      %get3A_87 = tpu.vector_load %arg10[%get3A_85, %get3A_86] {strides = array<i32>} : memref<512x32xf32, #tpu.memory_space<vmem>>, vector<1x16xf32>,
      %get3A_88 = vector.shape_cast %get3A_87 : vector<1x16xf32> to vector<16xf32>
      %get3A_89 = arith.index_cast %add3A_76 : i32 to index
      %get3A_90 = arith.constant 16 : index
      %get3A_91 = tpu.vector_load %arg10[%get3A_89, %get3A_90] {strides = array<i32>} : memref<512x32xf32, #tpu.memory_space<vmem>>, vector<1x16xf32>,
      %get3A_92 = vector.shape_cast %get3A_91 : vector<1x16xf32> to vector<16xf32>
      %mul3A_93 = arith.mulf %get3A_80, %get3A_88 : vector<16xf32>
      %mul3A_94 = arith.mulf %get3A_84, %get3A_92 : vector<16xf32>
      %add3A_95 = arith.addf %mul3A_93, %mul3A_94 : vector<16xf32>
      %iota3A_96 = tpu.iota {dimensions = array<i32: 0>} : vector<16xi32>
      %xor3A_97 = arith.constant 8 : i32
      %xor3A_98 = vector.broadcast %xor3A_97 : i32 to vector<16xi32>
      %xor3A_99 = arith.xori %iota3A_96, %xor3A_98 : vector<16xi32>
      %reshape3A_100 = vector.shape_cast %xor3A_99 : vector<16xi32> to vector<16x1xi32>
      %gather3A_101 = vector.shape_cast %reshape3A_100 : vector<16x1xi32> to vector<16xi32>
      %gather3A_102 = tpu.dynamic_gather %add3A_95[%gather3A_101] in [0] : vector<16xf32>, vector<16xi32> -> vector<16xf32>
      %add3A_103 = arith.addf %add3A_95, %gather3A_102 : vector<16xf32>
      %iota3A_104 = tpu.iota {dimensions = array<i32: 0>} : vector<16xi32>
      %xor3A_105 = arith.constant 4 : i32
      %xor3A_106 = vector.broadcast %xor3A_105 : i32 to vector<16xi32>
      %xor3A_107 = arith.xori %iota3A_104, %xor3A_106 : vector<16xi32>
      %reshape3A_108 = vector.shape_cast %xor3A_107 : vector<16xi32> to vector<16x1xi32>
      %gather3A_109 = vector.shape_cast %reshape3A_108 : vector<16x1xi32> to vector<16xi32>
      %gather3A_110 = tpu.dynamic_gather %add3A_103[%gather3A_109] in [0] : vector<16xf32>, vector<16xi32> -> vector<16xf32>
      %add3A_111 = arith.addf %add3A_103, %gather3A_110 : vector<16xf32>
      %iota3A_112 = tpu.iota {dimensions = array<i32: 0>} : vector<16xi32>
      %xor3A_113 = arith.constant 2 : i32
      %xor3A_114 = vector.broadcast %xor3A_113 : i32 to vector<16xi32>
      %xor3A_115 = arith.xori %iota3A_112, %xor3A_114 : vector<16xi32>
      %reshape3A_116 = vector.shape_cast %xor3A_115 : vector<16xi32> to vector<16x1xi32>
      %gather3A_117 = vector.shape_cast %reshape3A_116 : vector<16x1xi32> to vector<16xi32>
      %gather3A_118 = tpu.dynamic_gather %add3A_111[%gather3A_117] in [0] : vector<16xf32>, vector<16xi32> -> vector<16xf32>
      %add3A_119 = arith.addf %add3A_111, %gather3A_118 : vector<16xf32>
      %iota3A_120 = tpu.iota {dimensions = array<i32: 0>} : vector<16xi32>
      %xor3A_121 = arith.constant 1 : i32
      %xor3A_122 = vector.broadcast %xor3A_121 : i32 to vector<16xi32>
      %xor3A_123 = arith.xori %iota3A_120, %xor3A_122 : vector<16xi32>
      %reshape3A_124 = vector.shape_cast %xor3A_123 : vector<16xi32> to vector<16x1xi32>
      %gather3A_125 = vector.shape_cast %reshape3A_124 : vector<16x1xi32> to vector<16xi32>
      %gather3A_126 = tpu.dynamic_gather %add3A_119[%gather3A_125] in [0] : vector<16xf32>, vector<16xi32> -> vector<16xf32>
      %add3A_127 = arith.addf %add3A_119, %gather3A_126 : vector<16xf32>
      %iota3A_128 = tpu.iota {dimensions = array<i32: 0>} : vector<16xi32>
      %eq3A_129 = arith.constant 1 : i32
      %eq3A_130 = vector.broadcast %eq3A_129 : i32 to vector<16xi32>
      %eq3A_131 = arith.cmpi eq, %iota3A_128, %eq3A_130 : vector<16xi32>
      %select_n3A_132 = arith.select %eq3A_131, %add3A_127, %select_n3A : vector<16xi1>, vector<16xf32>
      %add3A_133 = arith.constant 2 : i32
      %add3A_134 = arith.addi %mul3A_22, %add3A_133 : i32
      %get3A_135 = arith.index_cast %add3A_134 : i32 to index
      %get3A_136 = arith.constant 0 : index
      %get3A_137 = tpu.vector_load %arg9[%get3A_135, %get3A_136] {strides = array<i32>} : memref<512x32xf32, #tpu.memory_space<vmem>>, vector<1x16xf32>,
      %get3A_138 = vector.shape_cast %get3A_137 : vector<1x16xf32> to vector<16xf32>
      %get3A_139 = arith.index_cast %add3A_134 : i32 to index
      %get3A_140 = arith.constant 16 : index
      %get3A_141 = tpu.vector_load %arg9[%get3A_139, %get3A_140] {strides = array<i32>} : memref<512x32xf32, #tpu.memory_space<vmem>>, vector<1x16xf32>,
      %get3A_142 = vector.shape_cast %get3A_141 : vector<1x16xf32> to vector<16xf32>
      %get3A_143 = arith.index_cast %add3A_134 : i32 to index
      %get3A_144 = arith.constant 0 : index
      %get3A_145 = tpu.vector_load %arg10[%get3A_143, %get3A_144] {strides = array<i32>} : memref<512x32xf32, #tpu.memory_space<vmem>>, vector<1x16xf32>,
      %get3A_146 = vector.shape_cast %get3A_145 : vector<1x16xf32> to vector<16xf32>
      %get3A_147 = arith.index_cast %add3A_134 : i32 to index
      %get3A_148 = arith.constant 16 : index
      %get3A_149 = tpu.vector_load %arg10[%get3A_147, %get3A_148] {strides = array<i32>} : memref<512x32xf32, #tpu.memory_space<vmem>>, vector<1x16xf32>,
      %get3A_150 = vector.shape_cast %get3A_149 : vector<1x16xf32> to vector<16xf32>
      %mul3A_151 = arith.mulf %get3A_138, %get3A_146 : vector<16xf32>
      %mul3A_152 = arith.mulf %get3A_142, %get3A_150 : vector<16xf32>
      %add3A_153 = arith.addf %mul3A_151, %mul3A_152 : vector<16xf32>
      %iota3A_154 = tpu.iota {dimensions = array<i32: 0>} : vector<16xi32>
      %xor3A_155 = arith.constant 8 : i32
      %xor3A_156 = vector.broadcast %xor3A_155 : i32 to vector<16xi32>
      %xor3A_157 = arith.xori %iota3A_154, %xor3A_156 : vector<16xi32>
      %reshape3A_158 = vector.shape_cast %xor3A_157 : vector<16xi32> to vector<16x1xi32>
      %gather3A_159 = vector.shape_cast %reshape3A_158 : vector<16x1xi32> to vector<16xi32>
      %gather3A_160 = tpu.dynamic_gather %add3A_153[%gather3A_159] in [0] : vector<16xf32>, vector<16xi32> -> vector<16xf32>
      %add3A_161 = arith.addf %add3A_153, %gather3A_160 : vector<16xf32>
      %iota3A_162 = tpu.iota {dimensions = array<i32: 0>} : vector<16xi32>
      %xor3A_163 = arith.constant 4 : i32
      %xor3A_164 = vector.broadcast %xor3A_163 : i32 to vector<16xi32>
      %xor3A_165 = arith.xori %iota3A_162, %xor3A_164 : vector<16xi32>
      %reshape3A_166 = vector.shape_cast %xor3A_165 : vector<16xi32> to vector<16x1xi32>
      %gather3A_167 = vector.shape_cast %reshape3A_166 : vector<16x1xi32> to vector<16xi32>
      %gather3A_168 = tpu.dynamic_gather %add3A_161[%gather3A_167] in [0] : vector<16xf32>, vector<16xi32> -> vector<16xf32>
      %add3A_169 = arith.addf %add3A_161, %gather3A_168 : vector<16xf32>
      %iota3A_170 = tpu.iota {dimensions = array<i32: 0>} : vector<16xi32>
      %xor3A_171 = arith.constant 2 : i32
      %xor3A_172 = vector.broadcast %xor3A_171 : i32 to vector<16xi32>
      %xor3A_173 = arith.xori %iota3A_170, %xor3A_172 : vector<16xi32>
      %reshape3A_174 = vector.shape_cast %xor3A_173 : vector<16xi32> to vector<16x1xi32>
      %gather3A_175 = vector.shape_cast %reshape3A_174 : vector<16x1xi32> to vector<16xi32>
      %gather3A_176 = tpu.dynamic_gather %add3A_169[%gather3A_175] in [0] : vector<16xf32>, vector<16xi32> -> vector<16xf32>
      %add3A_177 = arith.addf %add3A_169, %gather3A_176 : vector<16xf32>
      %iota3A_178 = tpu.iota {dimensions = array<i32: 0>} : vector<16xi32>
      %xor3A_179 = arith.constant 1 : i32
      %xor3A_180 = vector.broadcast %xor3A_179 : i32 to vector<16xi32>
      %xor3A_181 = arith.xori %iota3A_178, %xor3A_180 : vector<16xi32>
      %reshape3A_182 = vector.shape_cast %xor3A_181 : vector<16xi32> to vector<16x1xi32>
      %gather3A_183 = vector.shape_cast %reshape3A_182 : vector<16x1xi32> to vector<16xi32>
      %gather3A_184 = tpu.dynamic_gather %add3A_177[%gather3A_183] in [0] : vector<16xf32>, vector<16xi32> -> vector<16xf32>
      %add3A_185 = arith.addf %add3A_177, %gather3A_184 : vector<16xf32>
      %iota3A_186 = tpu.iota {dimensions = array<i32: 0>} : vector<16xi32>
      %eq3A_187 = arith.constant 2 : i32
      %eq3A_188 = vector.broadcast %eq3A_187 : i32 to vector<16xi32>
      %eq3A_189 = arith.cmpi eq, %iota3A_186, %eq3A_188 : vector<16xi32>
      %select_n3A_190 = arith.select %eq3A_189, %add3A_185, %select_n3A_132 : vector<16xi1>, vector<16xf32>
      %add3A_191 = arith.constant 3 : i32
      %add3A_192 = arith.addi %mul3A_22, %add3A_191 : i32
      %get3A_193 = arith.index_cast %add3A_192 : i32 to index
      %get3A_194 = arith.constant 0 : index
      %get3A_195 = tpu.vector_load %arg9[%get3A_193, %get3A_194] {strides = array<i32>} : memref<512x32xf32, #tpu.memory_space<vmem>>, vector<1x16xf32>,
      %get3A_196 = vector.shape_cast %get3A_195 : vector<1x16xf32> to vector<16xf32>
      %get3A_197 = arith.index_cast %add3A_192 : i32 to index
      %get3A_198 = arith.constant 16 : index
      %get3A_199 = tpu.vector_load %arg9[%get3A_197, %get3A_198] {strides = array<i32>} : memref<512x32xf32, #tpu.memory_space<vmem>>, vector<1x16xf32>,
      %get3A_200 = vector.shape_cast %get3A_199 : vector<1x16xf32> to vector<16xf32>
      %get3A_201 = arith.index_cast %add3A_192 : i32 to index
      %get3A_202 = arith.constant 0 : index
      %get3A_203 = tpu.vector_load %arg10[%get3A_201, %get3A_202] {strides = array<i32>} : memref<512x32xf32, #tpu.memory_space<vmem>>, vector<1x16xf32>,
      %get3A_204 = vector.shape_cast %get3A_203 : vector<1x16xf32> to vector<16xf32>
      %get3A_205 = arith.index_cast %add3A_192 : i32 to index
      %get3A_206 = arith.constant 16 : index
      %get3A_207 = tpu.vector_load %arg10[%get3A_205, %get3A_206] {strides = array<i32>} : memref<512x32xf32, #tpu.memory_space<vmem>>, vector<1x16xf32>,
      %get3A_208 = vector.shape_cast %get3A_207 : vector<1x16xf32> to vector<16xf32>
      %mul3A_209 = arith.mulf %get3A_196, %get3A_204 : vector<16xf32>
      %mul3A_210 = arith.mulf %get3A_200, %get3A_208 : vector<16xf32>
      %add3A_211 = arith.addf %mul3A_209, %mul3A_210 : vector<16xf32>
      %iota3A_212 = tpu.iota {dimensions = array<i32: 0>} : vector<16xi32>
      %xor3A_213 = arith.constant 8 : i32
      %xor3A_214 = vector.broadcast %xor3A_213 : i32 to vector<16xi32>
      %xor3A_215 = arith.xori %iota3A_212, %xor3A_214 : vector<16xi32>
      %reshape3A_216 = vector.shape_cast %xor3A_215 : vector<16xi32> to vector<16x1xi32>
      %gather3A_217 = vector.shape_cast %reshape3A_216 : vector<16x1xi32> to vector<16xi32>
      %gather3A_218 = tpu.dynamic_gather %add3A_211[%gather3A_217] in [0] : vector<16xf32>, vector<16xi32> -> vector<16xf32>
      %add3A_219 = arith.addf %add3A_211, %gather3A_218 : vector<16xf32>
      %iota3A_220 = tpu.iota {dimensions = array<i32: 0>} : vector<16xi32>
      %xor3A_221 = arith.constant 4 : i32
      %xor3A_222 = vector.broadcast %xor3A_221 : i32 to vector<16xi32>
      %xor3A_223 = arith.xori %iota3A_220, %xor3A_222 : vector<16xi32>
      %reshape3A_224 = vector.shape_cast %xor3A_223 : vector<16xi32> to vector<16x1xi32>
      %gather3A_225 = vector.shape_cast %reshape3A_224 : vector<16x1xi32> to vector<16xi32>
      %gather3A_226 = tpu.dynamic_gather %add3A_219[%gather3A_225] in [0] : vector<16xf32>, vector<16xi32> -> vector<16xf32>
      %add3A_227 = arith.addf %add3A_219, %gather3A_226 : vector<16xf32>
      %iota3A_228 = tpu.iota {dimensions = array<i32: 0>} : vector<16xi32>
      %xor3A_229 = arith.constant 2 : i32
      %xor3A_230 = vector.broadcast %xor3A_229 : i32 to vector<16xi32>
      %xor3A_231 = arith.xori %iota3A_228, %xor3A_230 : vector<16xi32>
      %reshape3A_232 = vector.shape_cast %xor3A_231 : vector<16xi32> to vector<16x1xi32>
      %gather3A_233 = vector.shape_cast %reshape3A_232 : vector<16x1xi32> to vector<16xi32>
      %gather3A_234 = tpu.dynamic_gather %add3A_227[%gather3A_233] in [0] : vector<16xf32>, vector<16xi32> -> vector<16xf32>
      %add3A_235 = arith.addf %add3A_227, %gather3A_234 : vector<16xf32>
      %iota3A_236 = tpu.iota {dimensions = array<i32: 0>} : vector<16xi32>
      %xor3A_237 = arith.constant 1 : i32
      %xor3A_238 = vector.broadcast %xor3A_237 : i32 to vector<16xi32>
      %xor3A_239 = arith.xori %iota3A_236, %xor3A_238 : vector<16xi32>
      %reshape3A_240 = vector.shape_cast %xor3A_239 : vector<16xi32> to vector<16x1xi32>
      %gather3A_241 = vector.shape_cast %reshape3A_240 : vector<16x1xi32> to vector<16xi32>
      %gather3A_242 = tpu.dynamic_gather %add3A_235[%gather3A_241] in [0] : vector<16xf32>, vector<16xi32> -> vector<16xf32>
      %add3A_243 = arith.addf %add3A_235, %gather3A_242 : vector<16xf32>
      %iota3A_244 = tpu.iota {dimensions = array<i32: 0>} : vector<16xi32>
      %eq3A_245 = arith.constant 3 : i32
      %eq3A_246 = vector.broadcast %eq3A_245 : i32 to vector<16xi32>
      %eq3A_247 = arith.cmpi eq, %iota3A_244, %eq3A_246 : vector<16xi32>
      %select_n3A_248 = arith.select %eq3A_247, %add3A_243, %select_n3A_190 : vector<16xi1>, vector<16xf32>
      %add3A_249 = arith.constant 4 : i32
      %add3A_250 = arith.addi %mul3A_22, %add3A_249 : i32
      %get3A_251 = arith.index_cast %add3A_250 : i32 to index
      %get3A_252 = arith.constant 0 : index
      %get3A_253 = tpu.vector_load %arg9[%get3A_251, %get3A_252] {strides = array<i32>} : memref<512x32xf32, #tpu.memory_space<vmem>>, vector<1x16xf32>,
      %get3A_254 = vector.shape_cast %get3A_253 : vector<1x16xf32> to vector<16xf32>
      %get3A_255 = arith.index_cast %add3A_250 : i32 to index
      %get3A_256 = arith.constant 16 : index
      %get3A_257 = tpu.vector_load %arg9[%get3A_255, %get3A_256] {strides = array<i32>} : memref<512x32xf32, #tpu.memory_space<vmem>>, vector<1x16xf32>,
      %get3A_258 = vector.shape_cast %get3A_257 : vector<1x16xf32> to vector<16xf32>
      %get3A_259 = arith.index_cast %add3A_250 : i32 to index
      %get3A_260 = arith.constant 0 : index
      %get3A_261 = tpu.vector_load %arg10[%get3A_259, %get3A_260] {strides = array<i32>} : memref<512x32xf32, #tpu.memory_space<vmem>>, vector<1x16xf32>,
      %get3A_262 = vector.shape_cast %get3A_261 : vector<1x16xf32> to vector<16xf32>
      %get3A_263 = arith.index_cast %add3A_250 : i32 to index
      %get3A_264 = arith.constant 16 : index
      %get3A_265 = tpu.vector_load %arg10[%get3A_263, %get3A_264] {strides = array<i32>} : memref<512x32xf32, #tpu.memory_space<vmem>>, vector<1x16xf32>,
      %get3A_266 = vector.shape_cast %get3A_265 : vector<1x16xf32> to vector<16xf32>
      %mul3A_267 = arith.mulf %get3A_254, %get3A_262 : vector<16xf32>
      %mul3A_268 = arith.mulf %get3A_258, %get3A_266 : vector<16xf32>
      %add3A_269 = arith.addf %mul3A_267, %mul3A_268 : vector<16xf32>
      %iota3A_270 = tpu.iota {dimensions = array<i32: 0>} : vector<16xi32>
      %xor3A_271 = arith.constant 8 : i32
      %xor3A_272 = vector.broadcast %xor3A_271 : i32 to vector<16xi32>
      %xor3A_273 = arith.xori %iota3A_270, %xor3A_272 : vector<16xi32>
      %reshape3A_274 = vector.shape_cast %xor3A_273 : vector<16xi32> to vector<16x1xi32>
      %gather3A_275 = vector.shape_cast %reshape3A_274 : vector<16x1xi32> to vector<16xi32>
      %gather3A_276 = tpu.dynamic_gather %add3A_269[%gather3A_275] in [0] : vector<16xf32>, vector<16xi32> -> vector<16xf32>
      %add3A_277 = arith.addf %add3A_269, %gather3A_276 : vector<16xf32>
      %iota3A_278 = tpu.iota {dimensions = array<i32: 0>} : vector<16xi32>
      %xor3A_279 = arith.constant 4 : i32
      %xor3A_280 = vector.broadcast %xor3A_279 : i32 to vector<16xi32>
      %xor3A_281 = arith.xori %iota3A_278, %xor3A_280 : vector<16xi32>
      %reshape3A_282 = vector.shape_cast %xor3A_281 : vector<16xi32> to vector<16x1xi32>
      %gather3A_283 = vector.shape_cast %reshape3A_282 : vector<16x1xi32> to vector<16xi32>
      %gather3A_284 = tpu.dynamic_gather %add3A_277[%gather3A_283] in [0] : vector<16xf32>, vector<16xi32> -> vector<16xf32>
      %add3A_285 = arith.addf %add3A_277, %gather3A_284 : vector<16xf32>
      %iota3A_286 = tpu.iota {dimensions = array<i32: 0>} : vector<16xi32>
      %xor3A_287 = arith.constant 2 : i32
      %xor3A_288 = vector.broadcast %xor3A_287 : i32 to vector<16xi32>
      %xor3A_289 = arith.xori %iota3A_286, %xor3A_288 : vector<16xi32>
      %reshape3A_290 = vector.shape_cast %xor3A_289 : vector<16xi32> to vector<16x1xi32>
      %gather3A_291 = vector.shape_cast %reshape3A_290 : vector<16x1xi32> to vector<16xi32>
      %gather3A_292 = tpu.dynamic_gather %add3A_285[%gather3A_291] in [0] : vector<16xf32>, vector<16xi32> -> vector<16xf32>
      %add3A_293 = arith.addf %add3A_285, %gather3A_292 : vector<16xf32>
      %iota3A_294 = tpu.iota {dimensions = array<i32: 0>} : vector<16xi32>
      %xor3A_295 = arith.constant 1 : i32
      %xor3A_296 = vector.broadcast %xor3A_295 : i32 to vector<16xi32>
      %xor3A_297 = arith.xori %iota3A_294, %xor3A_296 : vector<16xi32>
      %reshape3A_298 = vector.shape_cast %xor3A_297 : vector<16xi32> to vector<16x1xi32>
      %gather3A_299 = vector.shape_cast %reshape3A_298 : vector<16x1xi32> to vector<16xi32>
      %gather3A_300 = tpu.dynamic_gather %add3A_293[%gather3A_299] in [0] : vector<16xf32>, vector<16xi32> -> vector<16xf32>
      %add3A_301 = arith.addf %add3A_293, %gather3A_300 : vector<16xf32>
      %iota3A_302 = tpu.iota {dimensions = array<i32: 0>} : vector<16xi32>
      %eq3A_303 = arith.constant 4 : i32
      %eq3A_304 = vector.broadcast %eq3A_303 : i32 to vector<16xi32>
      %eq3A_305 = arith.cmpi eq, %iota3A_302, %eq3A_304 : vector<16xi32>
      %select_n3A_306 = arith.select %eq3A_305, %add3A_301, %select_n3A_248 : vector<16xi1>, vector<16xf32>
      %add3A_307 = arith.constant 5 : i32
      %add3A_308 = arith.addi %mul3A_22, %add3A_307 : i32
      %get3A_309 = arith.index_cast %add3A_308 : i32 to index
      %get3A_310 = arith.constant 0 : index
      %get3A_311 = tpu.vector_load %arg9[%get3A_309, %get3A_310] {strides = array<i32>} : memref<512x32xf32, #tpu.memory_space<vmem>>, vector<1x16xf32>,
      %get3A_312 = vector.shape_cast %get3A_311 : vector<1x16xf32> to vector<16xf32>
      %get3A_313 = arith.index_cast %add3A_308 : i32 to index
      %get3A_314 = arith.constant 16 : index
      %get3A_315 = tpu.vector_load %arg9[%get3A_313, %get3A_314] {strides = array<i32>} : memref<512x32xf32, #tpu.memory_space<vmem>>, vector<1x16xf32>,
      %get3A_316 = vector.shape_cast %get3A_315 : vector<1x16xf32> to vector<16xf32>
      %get3A_317 = arith.index_cast %add3A_308 : i32 to index
      %get3A_318 = arith.constant 0 : index
      %get3A_319 = tpu.vector_load %arg10[%get3A_317, %get3A_318] {strides = array<i32>} : memref<512x32xf32, #tpu.memory_space<vmem>>, vector<1x16xf32>,
      %get3A_320 = vector.shape_cast %get3A_319 : vector<1x16xf32> to vector<16xf32>
      %get3A_321 = arith.index_cast %add3A_308 : i32 to index
      %get3A_322 = arith.constant 16 : index
      %get3A_323 = tpu.vector_load %arg10[%get3A_321, %get3A_322] {strides = array<i32>} : memref<512x32xf32, #tpu.memory_space<vmem>>, vector<1x16xf32>,
      %get3A_324 = vector.shape_cast %get3A_323 : vector<1x16xf32> to vector<16xf32>
      %mul3A_325 = arith.mulf %get3A_312, %get3A_320 : vector<16xf32>
      %mul3A_326 = arith.mulf %get3A_316, %get3A_324 : vector<16xf32>
      %add3A_327 = arith.addf %mul3A_325, %mul3A_326 : vector<16xf32>
      %iota3A_328 = tpu.iota {dimensions = array<i32: 0>} : vector<16xi32>
      %xor3A_329 = arith.constant 8 : i32
      %xor3A_330 = vector.broadcast %xor3A_329 : i32 to vector<16xi32>
      %xor3A_331 = arith.xori %iota3A_328, %xor3A_330 : vector<16xi32>
      %reshape3A_332 = vector.shape_cast %xor3A_331 : vector<16xi32> to vector<16x1xi32>
      %gather3A_333 = vector.shape_cast %reshape3A_332 : vector<16x1xi32> to vector<16xi32>
      %gather3A_334 = tpu.dynamic_gather %add3A_327[%gather3A_333] in [0] : vector<16xf32>, vector<16xi32> -> vector<16xf32>
      %add3A_335 = arith.addf %add3A_327, %gather3A_334 : vector<16xf32>
      %iota3A_336 = tpu.iota {dimensions = array<i32: 0>} : vector<16xi32>
      %xor3A_337 = arith.constant 4 : i32
      %xor3A_338 = vector.broadcast %xor3A_337 : i32 to vector<16xi32>
      %xor3A_339 = arith.xori %iota3A_336, %xor3A_338 : vector<16xi32>
      %reshape3A_340 = vector.shape_cast %xor3A_339 : vector<16xi32> to vector<16x1xi32>
      %gather3A_341 = vector.shape_cast %reshape3A_340 : vector<16x1xi32> to vector<16xi32>
      %gather3A_342 = tpu.dynamic_gather %add3A_335[%gather3A_341] in [0] : vector<16xf32>, vector<16xi32> -> vector<16xf32>
      %add3A_343 = arith.addf %add3A_335, %gather3A_342 : vector<16xf32>
      %iota3A_344 = tpu.iota {dimensions = array<i32: 0>} : vector<16xi32>
      %xor3A_345 = arith.constant 2 : i32
      %xor3A_346 = vector.broadcast %xor3A_345 : i32 to vector<16xi32>
      %xor3A_347 = arith.xori %iota3A_344, %xor3A_346 : vector<16xi32>
      %reshape3A_348 = vector.shape_cast %xor3A_347 : vector<16xi32> to vector<16x1xi32>
      %gather3A_349 = vector.shape_cast %reshape3A_348 : vector<16x1xi32> to vector<16xi32>
      %gather3A_350 = tpu.dynamic_gather %add3A_343[%gather3A_349] in [0] : vector<16xf32>, vector<16xi32> -> vector<16xf32>
      %add3A_351 = arith.addf %add3A_343, %gather3A_350 : vector<16xf32>
      %iota3A_352 = tpu.iota {dimensions = array<i32: 0>} : vector<16xi32>
      %xor3A_353 = arith.constant 1 : i32
      %xor3A_354 = vector.broadcast %xor3A_353 : i32 to vector<16xi32>
      %xor3A_355 = arith.xori %iota3A_352, %xor3A_354 : vector<16xi32>
      %reshape3A_356 = vector.shape_cast %xor3A_355 : vector<16xi32> to vector<16x1xi32>
      %gather3A_357 = vector.shape_cast %reshape3A_356 : vector<16x1xi32> to vector<16xi32>
      %gather3A_358 = tpu.dynamic_gather %add3A_351[%gather3A_357] in [0] : vector<16xf32>, vector<16xi32> -> vector<16xf32>
      %add3A_359 = arith.addf %add3A_351, %gather3A_358 : vector<16xf32>
      %iota3A_360 = tpu.iota {dimensions = array<i32: 0>} : vector<16xi32>
      %eq3A_361 = arith.constant 5 : i32
      %eq3A_362 = vector.broadcast %eq3A_361 : i32 to vector<16xi32>
      %eq3A_363 = arith.cmpi eq, %iota3A_360, %eq3A_362 : vector<16xi32>
      %select_n3A_364 = arith.select %eq3A_363, %add3A_359, %select_n3A_306 : vector<16xi1>, vector<16xf32>
      %add3A_365 = arith.constant 6 : i32
      %add3A_366 = arith.addi %mul3A_22, %add3A_365 : i32
      %get3A_367 = arith.index_cast %add3A_366 : i32 to index
      %get3A_368 = arith.constant 0 : index
      %get3A_369 = tpu.vector_load %arg9[%get3A_367, %get3A_368] {strides = array<i32>} : memref<512x32xf32, #tpu.memory_space<vmem>>, vector<1x16xf32>,
      %get3A_370 = vector.shape_cast %get3A_369 : vector<1x16xf32> to vector<16xf32>
      %get3A_371 = arith.index_cast %add3A_366 : i32 to index
      %get3A_372 = arith.constant 16 : index
      %get3A_373 = tpu.vector_load %arg9[%get3A_371, %get3A_372] {strides = array<i32>} : memref<512x32xf32, #tpu.memory_space<vmem>>, vector<1x16xf32>,
      %get3A_374 = vector.shape_cast %get3A_373 : vector<1x16xf32> to vector<16xf32>
      %get3A_375 = arith.index_cast %add3A_366 : i32 to index
      %get3A_376 = arith.constant 0 : index
      %get3A_377 = tpu.vector_load %arg10[%get3A_375, %get3A_376] {strides = array<i32>} : memref<512x32xf32, #tpu.memory_space<vmem>>, vector<1x16xf32>,
      %get3A_378 = vector.shape_cast %get3A_377 : vector<1x16xf32> to vector<16xf32>
      %get3A_379 = arith.index_cast %add3A_366 : i32 to index
      %get3A_380 = arith.constant 16 : index
      %get3A_381 = tpu.vector_load %arg10[%get3A_379, %get3A_380] {strides = array<i32>} : memref<512x32xf32, #tpu.memory_space<vmem>>, vector<1x16xf32>,
      %get3A_382 = vector.shape_cast %get3A_381 : vector<1x16xf32> to vector<16xf32>
      %mul3A_383 = arith.mulf %get3A_370, %get3A_378 : vector<16xf32>
      %mul3A_384 = arith.mulf %get3A_374, %get3A_382 : vector<16xf32>
      %add3A_385 = arith.addf %mul3A_383, %mul3A_384 : vector<16xf32>
      %iota3A_386 = tpu.iota {dimensions = array<i32: 0>} : vector<16xi32>
      %xor3A_387 = arith.constant 8 : i32
      %xor3A_388 = vector.broadcast %xor3A_387 : i32 to vector<16xi32>
      %xor3A_389 = arith.xori %iota3A_386, %xor3A_388 : vector<16xi32>
      %reshape3A_390 = vector.shape_cast %xor3A_389 : vector<16xi32> to vector<16x1xi32>
      %gather3A_391 = vector.shape_cast %reshape3A_390 : vector<16x1xi32> to vector<16xi32>
      %gather3A_392 = tpu.dynamic_gather %add3A_385[%gather3A_391] in [0] : vector<16xf32>, vector<16xi32> -> vector<16xf32>
      %add3A_393 = arith.addf %add3A_385, %gather3A_392 : vector<16xf32>
      %iota3A_394 = tpu.iota {dimensions = array<i32: 0>} : vector<16xi32>
      %xor3A_395 = arith.constant 4 : i32
      %xor3A_396 = vector.broadcast %xor3A_395 : i32 to vector<16xi32>
      %xor3A_397 = arith.xori %iota3A_394, %xor3A_396 : vector<16xi32>
      %reshape3A_398 = vector.shape_cast %xor3A_397 : vector<16xi32> to vector<16x1xi32>
      %gather3A_399 = vector.shape_cast %reshape3A_398 : vector<16x1xi32> to vector<16xi32>
      %gather3A_400 = tpu.dynamic_gather %add3A_393[%gather3A_399] in [0] : vector<16xf32>, vector<16xi32> -> vector<16xf32>
      %add3A_401 = arith.addf %add3A_393, %gather3A_400 : vector<16xf32>
      %iota3A_402 = tpu.iota {dimensions = array<i32: 0>} : vector<16xi32>
      %xor3A_403 = arith.constant 2 : i32
      %xor3A_404 = vector.broadcast %xor3A_403 : i32 to vector<16xi32>
      %xor3A_405 = arith.xori %iota3A_402, %xor3A_404 : vector<16xi32>
      %reshape3A_406 = vector.shape_cast %xor3A_405 : vector<16xi32> to vector<16x1xi32>
      %gather3A_407 = vector.shape_cast %reshape3A_406 : vector<16x1xi32> to vector<16xi32>
      %gather3A_408 = tpu.dynamic_gather %add3A_401[%gather3A_407] in [0] : vector<16xf32>, vector<16xi32> -> vector<16xf32>
      %add3A_409 = arith.addf %add3A_401, %gather3A_408 : vector<16xf32>
      %iota3A_410 = tpu.iota {dimensions = array<i32: 0>} : vector<16xi32>
      %xor3A_411 = arith.constant 1 : i32
      %xor3A_412 = vector.broadcast %xor3A_411 : i32 to vector<16xi32>
      %xor3A_413 = arith.xori %iota3A_410, %xor3A_412 : vector<16xi32>
      %reshape3A_414 = vector.shape_cast %xor3A_413 : vector<16xi32> to vector<16x1xi32>
      %gather3A_415 = vector.shape_cast %reshape3A_414 : vector<16x1xi32> to vector<16xi32>
      %gather3A_416 = tpu.dynamic_gather %add3A_409[%gather3A_415] in [0] : vector<16xf32>, vector<16xi32> -> vector<16xf32>
      %add3A_417 = arith.addf %add3A_409, %gather3A_416 : vector<16xf32>
      %iota3A_418 = tpu.iota {dimensions = array<i32: 0>} : vector<16xi32>
      %eq3A_419 = arith.constant 6 : i32
      %eq3A_420 = vector.broadcast %eq3A_419 : i32 to vector<16xi32>
      %eq3A_421 = arith.cmpi eq, %iota3A_418, %eq3A_420 : vector<16xi32>
      %select_n3A_422 = arith.select %eq3A_421, %add3A_417, %select_n3A_364 : vector<16xi1>, vector<16xf32>
      %add3A_423 = arith.constant 7 : i32
      %add3A_424 = arith.addi %mul3A_22, %add3A_423 : i32
      %get3A_425 = arith.index_cast %add3A_424 : i32 to index
      %get3A_426 = arith.constant 0 : index
      %get3A_427 = tpu.vector_load %arg9[%get3A_425, %get3A_426] {strides = array<i32>} : memref<512x32xf32, #tpu.memory_space<vmem>>, vector<1x16xf32>,
      %get3A_428 = vector.shape_cast %get3A_427 : vector<1x16xf32> to vector<16xf32>
      %get3A_429 = arith.index_cast %add3A_424 : i32 to index
      %get3A_430 = arith.constant 16 : index
      %get3A_431 = tpu.vector_load %arg9[%get3A_429, %get3A_430] {strides = array<i32>} : memref<512x32xf32, #tpu.memory_space<vmem>>, vector<1x16xf32>,
      %get3A_432 = vector.shape_cast %get3A_431 : vector<1x16xf32> to vector<16xf32>
      %get3A_433 = arith.index_cast %add3A_424 : i32 to index
      %get3A_434 = arith.constant 0 : index
      %get3A_435 = tpu.vector_load %arg10[%get3A_433, %get3A_434] {strides = array<i32>} : memref<512x32xf32, #tpu.memory_space<vmem>>, vector<1x16xf32>,
      %get3A_436 = vector.shape_cast %get3A_435 : vector<1x16xf32> to vector<16xf32>
      %get3A_437 = arith.index_cast %add3A_424 : i32 to index
      %get3A_438 = arith.constant 16 : index
      %get3A_439 = tpu.vector_load %arg10[%get3A_437, %get3A_438] {strides = array<i32>} : memref<512x32xf32, #tpu.memory_space<vmem>>, vector<1x16xf32>,
      %get3A_440 = vector.shape_cast %get3A_439 : vector<1x16xf32> to vector<16xf32>
      %mul3A_441 = arith.mulf %get3A_428, %get3A_436 : vector<16xf32>
      %mul3A_442 = arith.mulf %get3A_432, %get3A_440 : vector<16xf32>
      %add3A_443 = arith.addf %mul3A_441, %mul3A_442 : vector<16xf32>
      %iota3A_444 = tpu.iota {dimensions = array<i32: 0>} : vector<16xi32>
      %xor3A_445 = arith.constant 8 : i32
      %xor3A_446 = vector.broadcast %xor3A_445 : i32 to vector<16xi32>
      %xor3A_447 = arith.xori %iota3A_444, %xor3A_446 : vector<16xi32>
      %reshape3A_448 = vector.shape_cast %xor3A_447 : vector<16xi32> to vector<16x1xi32>
      %gather3A_449 = vector.shape_cast %reshape3A_448 : vector<16x1xi32> to vector<16xi32>
      %gather3A_450 = tpu.dynamic_gather %add3A_443[%gather3A_449] in [0] : vector<16xf32>, vector<16xi32> -> vector<16xf32>
      %add3A_451 = arith.addf %add3A_443, %gather3A_450 : vector<16xf32>
      %iota3A_452 = tpu.iota {dimensions = array<i32: 0>} : vector<16xi32>
      %xor3A_453 = arith.constant 4 : i32
      %xor3A_454 = vector.broadcast %xor3A_453 : i32 to vector<16xi32>
      %xor3A_455 = arith.xori %iota3A_452, %xor3A_454 : vector<16xi32>
      %reshape3A_456 = vector.shape_cast %xor3A_455 : vector<16xi32> to vector<16x1xi32>
      %gather3A_457 = vector.shape_cast %reshape3A_456 : vector<16x1xi32> to vector<16xi32>
      %gather3A_458 = tpu.dynamic_gather %add3A_451[%gather3A_457] in [0] : vector<16xf32>, vector<16xi32> -> vector<16xf32>
      %add3A_459 = arith.addf %add3A_451, %gather3A_458 : vector<16xf32>
      %iota3A_460 = tpu.iota {dimensions = array<i32: 0>} : vector<16xi32>
      %xor3A_461 = arith.constant 2 : i32
      %xor3A_462 = vector.broadcast %xor3A_461 : i32 to vector<16xi32>
      %xor3A_463 = arith.xori %iota3A_460, %xor3A_462 : vector<16xi32>
      %reshape3A_464 = vector.shape_cast %xor3A_463 : vector<16xi32> to vector<16x1xi32>
      %gather3A_465 = vector.shape_cast %reshape3A_464 : vector<16x1xi32> to vector<16xi32>
      %gather3A_466 = tpu.dynamic_gather %add3A_459[%gather3A_465] in [0] : vector<16xf32>, vector<16xi32> -> vector<16xf32>
      %add3A_467 = arith.addf %add3A_459, %gather3A_466 : vector<16xf32>
      %iota3A_468 = tpu.iota {dimensions = array<i32: 0>} : vector<16xi32>
      %xor3A_469 = arith.constant 1 : i32
      %xor3A_470 = vector.broadcast %xor3A_469 : i32 to vector<16xi32>
      %xor3A_471 = arith.xori %iota3A_468, %xor3A_470 : vector<16xi32>
      %reshape3A_472 = vector.shape_cast %xor3A_471 : vector<16xi32> to vector<16x1xi32>
      %gather3A_473 = vector.shape_cast %reshape3A_472 : vector<16x1xi32> to vector<16xi32>
      %gather3A_474 = tpu.dynamic_gather %add3A_467[%gather3A_473] in [0] : vector<16xf32>, vector<16xi32> -> vector<16xf32>
      %add3A_475 = arith.addf %add3A_467, %gather3A_474 : vector<16xf32>
      %iota3A_476 = tpu.iota {dimensions = array<i32: 0>} : vector<16xi32>
      %eq3A_477 = arith.constant 7 : i32
      %eq3A_478 = vector.broadcast %eq3A_477 : i32 to vector<16xi32>
      %eq3A_479 = arith.cmpi eq, %iota3A_476, %eq3A_478 : vector<16xi32>
      %select_n3A_480 = arith.select %eq3A_479, %add3A_475, %select_n3A_422 : vector<16xi1>, vector<16xf32>
      %add3A_481 = arith.constant 8 : i32
      %add3A_482 = arith.addi %mul3A_22, %add3A_481 : i32
      %get3A_483 = arith.index_cast %add3A_482 : i32 to index
      %get3A_484 = arith.constant 0 : index
      %get3A_485 = tpu.vector_load %arg9[%get3A_483, %get3A_484] {strides = array<i32>} : memref<512x32xf32, #tpu.memory_space<vmem>>, vector<1x16xf32>,
      %get3A_486 = vector.shape_cast %get3A_485 : vector<1x16xf32> to vector<16xf32>
      %get3A_487 = arith.index_cast %add3A_482 : i32 to index
      %get3A_488 = arith.constant 16 : index
      %get3A_489 = tpu.vector_load %arg9[%get3A_487, %get3A_488] {strides = array<i32>} : memref<512x32xf32, #tpu.memory_space<vmem>>, vector<1x16xf32>,
      %get3A_490 = vector.shape_cast %get3A_489 : vector<1x16xf32> to vector<16xf32>
      %get3A_491 = arith.index_cast %add3A_482 : i32 to index
      %get3A_492 = arith.constant 0 : index
      %get3A_493 = tpu.vector_load %arg10[%get3A_491, %get3A_492] {strides = array<i32>} : memref<512x32xf32, #tpu.memory_space<vmem>>, vector<1x16xf32>,
      %get3A_494 = vector.shape_cast %get3A_493 : vector<1x16xf32> to vector<16xf32>
      %get3A_495 = arith.index_cast %add3A_482 : i32 to index
      %get3A_496 = arith.constant 16 : index
      %get3A_497 = tpu.vector_load %arg10[%get3A_495, %get3A_496] {strides = array<i32>} : memref<512x32xf32, #tpu.memory_space<vmem>>, vector<1x16xf32>,
      %get3A_498 = vector.shape_cast %get3A_497 : vector<1x16xf32> to vector<16xf32>
      %mul3A_499 = arith.mulf %get3A_486, %get3A_494 : vector<16xf32>
      %mul3A_500 = arith.mulf %get3A_490, %get3A_498 : vector<16xf32>
      %add3A_501 = arith.addf %mul3A_499, %mul3A_500 : vector<16xf32>
      %iota3A_502 = tpu.iota {dimensions = array<i32: 0>} : vector<16xi32>
      %xor3A_503 = arith.constant 8 : i32
      %xor3A_504 = vector.broadcast %xor3A_503 : i32 to vector<16xi32>
      %xor3A_505 = arith.xori %iota3A_502, %xor3A_504 : vector<16xi32>
      %reshape3A_506 = vector.shape_cast %xor3A_505 : vector<16xi32> to vector<16x1xi32>
      %gather3A_507 = vector.shape_cast %reshape3A_506 : vector<16x1xi32> to vector<16xi32>
      %gather3A_508 = tpu.dynamic_gather %add3A_501[%gather3A_507] in [0] : vector<16xf32>, vector<16xi32> -> vector<16xf32>
      %add3A_509 = arith.addf %add3A_501, %gather3A_508 : vector<16xf32>
      %iota3A_510 = tpu.iota {dimensions = array<i32: 0>} : vector<16xi32>
      %xor3A_511 = arith.constant 4 : i32
      %xor3A_512 = vector.broadcast %xor3A_511 : i32 to vector<16xi32>
      %xor3A_513 = arith.xori %iota3A_510, %xor3A_512 : vector<16xi32>
      %reshape3A_514 = vector.shape_cast %xor3A_513 : vector<16xi32> to vector<16x1xi32>
      %gather3A_515 = vector.shape_cast %reshape3A_514 : vector<16x1xi32> to vector<16xi32>
      %gather3A_516 = tpu.dynamic_gather %add3A_509[%gather3A_515] in [0] : vector<16xf32>, vector<16xi32> -> vector<16xf32>
      %add3A_517 = arith.addf %add3A_509, %gather3A_516 : vector<16xf32>
      %iota3A_518 = tpu.iota {dimensions = array<i32: 0>} : vector<16xi32>
      %xor3A_519 = arith.constant 2 : i32
      %xor3A_520 = vector.broadcast %xor3A_519 : i32 to vector<16xi32>
      %xor3A_521 = arith.xori %iota3A_518, %xor3A_520 : vector<16xi32>
      %reshape3A_522 = vector.shape_cast %xor3A_521 : vector<16xi32> to vector<16x1xi32>
      %gather3A_523 = vector.shape_cast %reshape3A_522 : vector<16x1xi32> to vector<16xi32>
      %gather3A_524 = tpu.dynamic_gather %add3A_517[%gather3A_523] in [0] : vector<16xf32>, vector<16xi32> -> vector<16xf32>
      %add3A_525 = arith.addf %add3A_517, %gather3A_524 : vector<16xf32>
      %iota3A_526 = tpu.iota {dimensions = array<i32: 0>} : vector<16xi32>
      %xor3A_527 = arith.constant 1 : i32
      %xor3A_528 = vector.broadcast %xor3A_527 : i32 to vector<16xi32>
      %xor3A_529 = arith.xori %iota3A_526, %xor3A_528 : vector<16xi32>
      %reshape3A_530 = vector.shape_cast %xor3A_529 : vector<16xi32> to vector<16x1xi32>
      %gather3A_531 = vector.shape_cast %reshape3A_530 : vector<16x1xi32> to vector<16xi32>
      %gather3A_532 = tpu.dynamic_gather %add3A_525[%gather3A_531] in [0] : vector<16xf32>, vector<16xi32> -> vector<16xf32>
      %add3A_533 = arith.addf %add3A_525, %gather3A_532 : vector<16xf32>
      %iota3A_534 = tpu.iota {dimensions = array<i32: 0>} : vector<16xi32>
      %eq3A_535 = arith.constant 8 : i32
      %eq3A_536 = vector.broadcast %eq3A_535 : i32 to vector<16xi32>
      %eq3A_537 = arith.cmpi eq, %iota3A_534, %eq3A_536 : vector<16xi32>
      %select_n3A_538 = arith.select %eq3A_537, %add3A_533, %select_n3A_480 : vector<16xi1>, vector<16xf32>
      %add3A_539 = arith.constant 9 : i32
      %add3A_540 = arith.addi %mul3A_22, %add3A_539 : i32
      %get3A_541 = arith.index_cast %add3A_540 : i32 to index
      %get3A_542 = arith.constant 0 : index
      %get3A_543 = tpu.vector_load %arg9[%get3A_541, %get3A_542] {strides = array<i32>} : memref<512x32xf32, #tpu.memory_space<vmem>>, vector<1x16xf32>,
      %get3A_544 = vector.shape_cast %get3A_543 : vector<1x16xf32> to vector<16xf32>
      %get3A_545 = arith.index_cast %add3A_540 : i32 to index
      %get3A_546 = arith.constant 16 : index
      %get3A_547 = tpu.vector_load %arg9[%get3A_545, %get3A_546] {strides = array<i32>} : memref<512x32xf32, #tpu.memory_space<vmem>>, vector<1x16xf32>,
      %get3A_548 = vector.shape_cast %get3A_547 : vector<1x16xf32> to vector<16xf32>
      %get3A_549 = arith.index_cast %add3A_540 : i32 to index
      %get3A_550 = arith.constant 0 : index
      %get3A_551 = tpu.vector_load %arg10[%get3A_549, %get3A_550] {strides = array<i32>} : memref<512x32xf32, #tpu.memory_space<vmem>>, vector<1x16xf32>,
      %get3A_552 = vector.shape_cast %get3A_551 : vector<1x16xf32> to vector<16xf32>
      %get3A_553 = arith.index_cast %add3A_540 : i32 to index
      %get3A_554 = arith.constant 16 : index
      %get3A_555 = tpu.vector_load %arg10[%get3A_553, %get3A_554] {strides = array<i32>} : memref<512x32xf32, #tpu.memory_space<vmem>>, vector<1x16xf32>,
      %get3A_556 = vector.shape_cast %get3A_555 : vector<1x16xf32> to vector<16xf32>
      %mul3A_557 = arith.mulf %get3A_544, %get3A_552 : vector<16xf32>
      %mul3A_558 = arith.mulf %get3A_548, %get3A_556 : vector<16xf32>
      %add3A_559 = arith.addf %mul3A_557, %mul3A_558 : vector<16xf32>
      %iota3A_560 = tpu.iota {dimensions = array<i32: 0>} : vector<16xi32>
      %xor3A_561 = arith.constant 8 : i32
      %xor3A_562 = vector.broadcast %xor3A_561 : i32 to vector<16xi32>
      %xor3A_563 = arith.xori %iota3A_560, %xor3A_562 : vector<16xi32>
      %reshape3A_564 = vector.shape_cast %xor3A_563 : vector<16xi32> to vector<16x1xi32>
      %gather3A_565 = vector.shape_cast %reshape3A_564 : vector<16x1xi32> to vector<16xi32>
      %gather3A_566 = tpu.dynamic_gather %add3A_559[%gather3A_565] in [0] : vector<16xf32>, vector<16xi32> -> vector<16xf32>
      %add3A_567 = arith.addf %add3A_559, %gather3A_566 : vector<16xf32>
      %iota3A_568 = tpu.iota {dimensions = array<i32: 0>} : vector<16xi32>
      %xor3A_569 = arith.constant 4 : i32
      %xor3A_570 = vector.broadcast %xor3A_569 : i32 to vector<16xi32>
      %xor3A_571 = arith.xori %iota3A_568, %xor3A_570 : vector<16xi32>
      %reshape3A_572 = vector.shape_cast %xor3A_571 : vector<16xi32> to vector<16x1xi32>
      %gather3A_573 = vector.shape_cast %reshape3A_572 : vector<16x1xi32> to vector<16xi32>
      %gather3A_574 = tpu.dynamic_gather %add3A_567[%gather3A_573] in [0] : vector<16xf32>, vector<16xi32> -> vector<16xf32>
      %add3A_575 = arith.addf %add3A_567, %gather3A_574 : vector<16xf32>
      %iota3A_576 = tpu.iota {dimensions = array<i32: 0>} : vector<16xi32>
      %xor3A_577 = arith.constant 2 : i32
      %xor3A_578 = vector.broadcast %xor3A_577 : i32 to vector<16xi32>
      %xor3A_579 = arith.xori %iota3A_576, %xor3A_578 : vector<16xi32>
      %reshape3A_580 = vector.shape_cast %xor3A_579 : vector<16xi32> to vector<16x1xi32>
      %gather3A_581 = vector.shape_cast %reshape3A_580 : vector<16x1xi32> to vector<16xi32>
      %gather3A_582 = tpu.dynamic_gather %add3A_575[%gather3A_581] in [0] : vector<16xf32>, vector<16xi32> -> vector<16xf32>
      %add3A_583 = arith.addf %add3A_575, %gather3A_582 : vector<16xf32>
      %iota3A_584 = tpu.iota {dimensions = array<i32: 0>} : vector<16xi32>
      %xor3A_585 = arith.constant 1 : i32
      %xor3A_586 = vector.broadcast %xor3A_585 : i32 to vector<16xi32>
      %xor3A_587 = arith.xori %iota3A_584, %xor3A_586 : vector<16xi32>
      %reshape3A_588 = vector.shape_cast %xor3A_587 : vector<16xi32> to vector<16x1xi32>
      %gather3A_589 = vector.shape_cast %reshape3A_588 : vector<16x1xi32> to vector<16xi32>
      %gather3A_590 = tpu.dynamic_gather %add3A_583[%gather3A_589] in [0] : vector<16xf32>, vector<16xi32> -> vector<16xf32>
      %add3A_591 = arith.addf %add3A_583, %gather3A_590 : vector<16xf32>
      %iota3A_592 = tpu.iota {dimensions = array<i32: 0>} : vector<16xi32>
      %eq3A_593 = arith.constant 9 : i32
      %eq3A_594 = vector.broadcast %eq3A_593 : i32 to vector<16xi32>
      %eq3A_595 = arith.cmpi eq, %iota3A_592, %eq3A_594 : vector<16xi32>
      %select_n3A_596 = arith.select %eq3A_595, %add3A_591, %select_n3A_538 : vector<16xi1>, vector<16xf32>
      %add3A_597 = arith.constant 10 : i32
      %add3A_598 = arith.addi %mul3A_22, %add3A_597 : i32
      %get3A_599 = arith.index_cast %add3A_598 : i32 to index
      %get3A_600 = arith.constant 0 : index
      %get3A_601 = tpu.vector_load %arg9[%get3A_599, %get3A_600] {strides = array<i32>} : memref<512x32xf32, #tpu.memory_space<vmem>>, vector<1x16xf32>,
      %get3A_602 = vector.shape_cast %get3A_601 : vector<1x16xf32> to vector<16xf32>
      %get3A_603 = arith.index_cast %add3A_598 : i32 to index
      %get3A_604 = arith.constant 16 : index
      %get3A_605 = tpu.vector_load %arg9[%get3A_603, %get3A_604] {strides = array<i32>} : memref<512x32xf32, #tpu.memory_space<vmem>>, vector<1x16xf32>,
      %get3A_606 = vector.shape_cast %get3A_605 : vector<1x16xf32> to vector<16xf32>
      %get3A_607 = arith.index_cast %add3A_598 : i32 to index
      %get3A_608 = arith.constant 0 : index
      %get3A_609 = tpu.vector_load %arg10[%get3A_607, %get3A_608] {strides = array<i32>} : memref<512x32xf32, #tpu.memory_space<vmem>>, vector<1x16xf32>,
      %get3A_610 = vector.shape_cast %get3A_609 : vector<1x16xf32> to vector<16xf32>
      %get3A_611 = arith.index_cast %add3A_598 : i32 to index
      %get3A_612 = arith.constant 16 : index
      %get3A_613 = tpu.vector_load %arg10[%get3A_611, %get3A_612] {strides = array<i32>} : memref<512x32xf32, #tpu.memory_space<vmem>>, vector<1x16xf32>,
      %get3A_614 = vector.shape_cast %get3A_613 : vector<1x16xf32> to vector<16xf32>
      %mul3A_615 = arith.mulf %get3A_602, %get3A_610 : vector<16xf32>
      %mul3A_616 = arith.mulf %get3A_606, %get3A_614 : vector<16xf32>
      %add3A_617 = arith.addf %mul3A_615, %mul3A_616 : vector<16xf32>
      %iota3A_618 = tpu.iota {dimensions = array<i32: 0>} : vector<16xi32>
      %xor3A_619 = arith.constant 8 : i32
      %xor3A_620 = vector.broadcast %xor3A_619 : i32 to vector<16xi32>
      %xor3A_621 = arith.xori %iota3A_618, %xor3A_620 : vector<16xi32>
      %reshape3A_622 = vector.shape_cast %xor3A_621 : vector<16xi32> to vector<16x1xi32>
      %gather3A_623 = vector.shape_cast %reshape3A_622 : vector<16x1xi32> to vector<16xi32>
      %gather3A_624 = tpu.dynamic_gather %add3A_617[%gather3A_623] in [0] : vector<16xf32>, vector<16xi32> -> vector<16xf32>
      %add3A_625 = arith.addf %add3A_617, %gather3A_624 : vector<16xf32>
      %iota3A_626 = tpu.iota {dimensions = array<i32: 0>} : vector<16xi32>
      %xor3A_627 = arith.constant 4 : i32
      %xor3A_628 = vector.broadcast %xor3A_627 : i32 to vector<16xi32>
      %xor3A_629 = arith.xori %iota3A_626, %xor3A_628 : vector<16xi32>
      %reshape3A_630 = vector.shape_cast %xor3A_629 : vector<16xi32> to vector<16x1xi32>
      %gather3A_631 = vector.shape_cast %reshape3A_630 : vector<16x1xi32> to vector<16xi32>
      %gather3A_632 = tpu.dynamic_gather %add3A_625[%gather3A_631] in [0] : vector<16xf32>, vector<16xi32> -> vector<16xf32>
      %add3A_633 = arith.addf %add3A_625, %gather3A_632 : vector<16xf32>
      %iota3A_634 = tpu.iota {dimensions = array<i32: 0>} : vector<16xi32>
      %xor3A_635 = arith.constant 2 : i32
      %xor3A_636 = vector.broadcast %xor3A_635 : i32 to vector<16xi32>
      %xor3A_637 = arith.xori %iota3A_634, %xor3A_636 : vector<16xi32>
      %reshape3A_638 = vector.shape_cast %xor3A_637 : vector<16xi32> to vector<16x1xi32>
      %gather3A_639 = vector.shape_cast %reshape3A_638 : vector<16x1xi32> to vector<16xi32>
      %gather3A_640 = tpu.dynamic_gather %add3A_633[%gather3A_639] in [0] : vector<16xf32>, vector<16xi32> -> vector<16xf32>
      %add3A_641 = arith.addf %add3A_633, %gather3A_640 : vector<16xf32>
      %iota3A_642 = tpu.iota {dimensions = array<i32: 0>} : vector<16xi32>
      %xor3A_643 = arith.constant 1 : i32
      %xor3A_644 = vector.broadcast %xor3A_643 : i32 to vector<16xi32>
      %xor3A_645 = arith.xori %iota3A_642, %xor3A_644 : vector<16xi32>
      %reshape3A_646 = vector.shape_cast %xor3A_645 : vector<16xi32> to vector<16x1xi32>
      %gather3A_647 = vector.shape_cast %reshape3A_646 : vector<16x1xi32> to vector<16xi32>
      %gather3A_648 = tpu.dynamic_gather %add3A_641[%gather3A_647] in [0] : vector<16xf32>, vector<16xi32> -> vector<16xf32>
      %add3A_649 = arith.addf %add3A_641, %gather3A_648 : vector<16xf32>
      %iota3A_650 = tpu.iota {dimensions = array<i32: 0>} : vector<16xi32>
      %eq3A_651 = arith.constant 10 : i32
      %eq3A_652 = vector.broadcast %eq3A_651 : i32 to vector<16xi32>
      %eq3A_653 = arith.cmpi eq, %iota3A_650, %eq3A_652 : vector<16xi32>
      %select_n3A_654 = arith.select %eq3A_653, %add3A_649, %select_n3A_596 : vector<16xi1>, vector<16xf32>
      %add3A_655 = arith.constant 11 : i32
      %add3A_656 = arith.addi %mul3A_22, %add3A_655 : i32
      %get3A_657 = arith.index_cast %add3A_656 : i32 to index
      %get3A_658 = arith.constant 0 : index
      %get3A_659 = tpu.vector_load %arg9[%get3A_657, %get3A_658] {strides = array<i32>} : memref<512x32xf32, #tpu.memory_space<vmem>>, vector<1x16xf32>,
      %get3A_660 = vector.shape_cast %get3A_659 : vector<1x16xf32> to vector<16xf32>
      %get3A_661 = arith.index_cast %add3A_656 : i32 to index
      %get3A_662 = arith.constant 16 : index
      %get3A_663 = tpu.vector_load %arg9[%get3A_661, %get3A_662] {strides = array<i32>} : memref<512x32xf32, #tpu.memory_space<vmem>>, vector<1x16xf32>,
      %get3A_664 = vector.shape_cast %get3A_663 : vector<1x16xf32> to vector<16xf32>
      %get3A_665 = arith.index_cast %add3A_656 : i32 to index
      %get3A_666 = arith.constant 0 : index
      %get3A_667 = tpu.vector_load %arg10[%get3A_665, %get3A_666] {strides = array<i32>} : memref<512x32xf32, #tpu.memory_space<vmem>>, vector<1x16xf32>,
      %get3A_668 = vector.shape_cast %get3A_667 : vector<1x16xf32> to vector<16xf32>
      %get3A_669 = arith.index_cast %add3A_656 : i32 to index
      %get3A_670 = arith.constant 16 : index
      %get3A_671 = tpu.vector_load %arg10[%get3A_669, %get3A_670] {strides = array<i32>} : memref<512x32xf32, #tpu.memory_space<vmem>>, vector<1x16xf32>,
      %get3A_672 = vector.shape_cast %get3A_671 : vector<1x16xf32> to vector<16xf32>
      %mul3A_673 = arith.mulf %get3A_660, %get3A_668 : vector<16xf32>
      %mul3A_674 = arith.mulf %get3A_664, %get3A_672 : vector<16xf32>
      %add3A_675 = arith.addf %mul3A_673, %mul3A_674 : vector<16xf32>
      %iota3A_676 = tpu.iota {dimensions = array<i32: 0>} : vector<16xi32>
      %xor3A_677 = arith.constant 8 : i32
      %xor3A_678 = vector.broadcast %xor3A_677 : i32 to vector<16xi32>
      %xor3A_679 = arith.xori %iota3A_676, %xor3A_678 : vector<16xi32>
      %reshape3A_680 = vector.shape_cast %xor3A_679 : vector<16xi32> to vector<16x1xi32>
      %gather3A_681 = vector.shape_cast %reshape3A_680 : vector<16x1xi32> to vector<16xi32>
      %gather3A_682 = tpu.dynamic_gather %add3A_675[%gather3A_681] in [0] : vector<16xf32>, vector<16xi32> -> vector<16xf32>
      %add3A_683 = arith.addf %add3A_675, %gather3A_682 : vector<16xf32>
      %iota3A_684 = tpu.iota {dimensions = array<i32: 0>} : vector<16xi32>
      %xor3A_685 = arith.constant 4 : i32
      %xor3A_686 = vector.broadcast %xor3A_685 : i32 to vector<16xi32>
      %xor3A_687 = arith.xori %iota3A_684, %xor3A_686 : vector<16xi32>
      %reshape3A_688 = vector.shape_cast %xor3A_687 : vector<16xi32> to vector<16x1xi32>
      %gather3A_689 = vector.shape_cast %reshape3A_688 : vector<16x1xi32> to vector<16xi32>
      %gather3A_690 = tpu.dynamic_gather %add3A_683[%gather3A_689] in [0] : vector<16xf32>, vector<16xi32> -> vector<16xf32>
      %add3A_691 = arith.addf %add3A_683, %gather3A_690 : vector<16xf32>
      %iota3A_692 = tpu.iota {dimensions = array<i32: 0>} : vector<16xi32>
      %xor3A_693 = arith.constant 2 : i32
      %xor3A_694 = vector.broadcast %xor3A_693 : i32 to vector<16xi32>
      %xor3A_695 = arith.xori %iota3A_692, %xor3A_694 : vector<16xi32>
      %reshape3A_696 = vector.shape_cast %xor3A_695 : vector<16xi32> to vector<16x1xi32>
      %gather3A_697 = vector.shape_cast %reshape3A_696 : vector<16x1xi32> to vector<16xi32>
      %gather3A_698 = tpu.dynamic_gather %add3A_691[%gather3A_697] in [0] : vector<16xf32>, vector<16xi32> -> vector<16xf32>
      %add3A_699 = arith.addf %add3A_691, %gather3A_698 : vector<16xf32>
      %iota3A_700 = tpu.iota {dimensions = array<i32: 0>} : vector<16xi32>
      %xor3A_701 = arith.constant 1 : i32
      %xor3A_702 = vector.broadcast %xor3A_701 : i32 to vector<16xi32>
      %xor3A_703 = arith.xori %iota3A_700, %xor3A_702 : vector<16xi32>
      %reshape3A_704 = vector.shape_cast %xor3A_703 : vector<16xi32> to vector<16x1xi32>
      %gather3A_705 = vector.shape_cast %reshape3A_704 : vector<16x1xi32> to vector<16xi32>
      %gather3A_706 = tpu.dynamic_gather %add3A_699[%gather3A_705] in [0] : vector<16xf32>, vector<16xi32> -> vector<16xf32>
      %add3A_707 = arith.addf %add3A_699, %gather3A_706 : vector<16xf32>
      %iota3A_708 = tpu.iota {dimensions = array<i32: 0>} : vector<16xi32>
      %eq3A_709 = arith.constant 11 : i32
      %eq3A_710 = vector.broadcast %eq3A_709 : i32 to vector<16xi32>
      %eq3A_711 = arith.cmpi eq, %iota3A_708, %eq3A_710 : vector<16xi32>
      %select_n3A_712 = arith.select %eq3A_711, %add3A_707, %select_n3A_654 : vector<16xi1>, vector<16xf32>
      %add3A_713 = arith.constant 12 : i32
      %add3A_714 = arith.addi %mul3A_22, %add3A_713 : i32
      %get3A_715 = arith.index_cast %add3A_714 : i32 to index
      %get3A_716 = arith.constant 0 : index
      %get3A_717 = tpu.vector_load %arg9[%get3A_715, %get3A_716] {strides = array<i32>} : memref<512x32xf32, #tpu.memory_space<vmem>>, vector<1x16xf32>,
      %get3A_718 = vector.shape_cast %get3A_717 : vector<1x16xf32> to vector<16xf32>
      %get3A_719 = arith.index_cast %add3A_714 : i32 to index
      %get3A_720 = arith.constant 16 : index
      %get3A_721 = tpu.vector_load %arg9[%get3A_719, %get3A_720] {strides = array<i32>} : memref<512x32xf32, #tpu.memory_space<vmem>>, vector<1x16xf32>,
      %get3A_722 = vector.shape_cast %get3A_721 : vector<1x16xf32> to vector<16xf32>
      %get3A_723 = arith.index_cast %add3A_714 : i32 to index
      %get3A_724 = arith.constant 0 : index
      %get3A_725 = tpu.vector_load %arg10[%get3A_723, %get3A_724] {strides = array<i32>} : memref<512x32xf32, #tpu.memory_space<vmem>>, vector<1x16xf32>,
      %get3A_726 = vector.shape_cast %get3A_725 : vector<1x16xf32> to vector<16xf32>
      %get3A_727 = arith.index_cast %add3A_714 : i32 to index
      %get3A_728 = arith.constant 16 : index
      %get3A_729 = tpu.vector_load %arg10[%get3A_727, %get3A_728] {strides = array<i32>} : memref<512x32xf32, #tpu.memory_space<vmem>>, vector<1x16xf32>,
      %get3A_730 = vector.shape_cast %get3A_729 : vector<1x16xf32> to vector<16xf32>
      %mul3A_731 = arith.mulf %get3A_718, %get3A_726 : vector<16xf32>
      %mul3A_732 = arith.mulf %get3A_722, %get3A_730 : vector<16xf32>
      %add3A_733 = arith.addf %mul3A_731, %mul3A_732 : vector<16xf32>
      %iota3A_734 = tpu.iota {dimensions = array<i32: 0>} : vector<16xi32>
      %xor3A_735 = arith.constant 8 : i32
      %xor3A_736 = vector.broadcast %xor3A_735 : i32 to vector<16xi32>
      %xor3A_737 = arith.xori %iota3A_734, %xor3A_736 : vector<16xi32>
      %reshape3A_738 = vector.shape_cast %xor3A_737 : vector<16xi32> to vector<16x1xi32>
      %gather3A_739 = vector.shape_cast %reshape3A_738 : vector<16x1xi32> to vector<16xi32>
      %gather3A_740 = tpu.dynamic_gather %add3A_733[%gather3A_739] in [0] : vector<16xf32>, vector<16xi32> -> vector<16xf32>
      %add3A_741 = arith.addf %add3A_733, %gather3A_740 : vector<16xf32>
      %iota3A_742 = tpu.iota {dimensions = array<i32: 0>} : vector<16xi32>
      %xor3A_743 = arith.constant 4 : i32
      %xor3A_744 = vector.broadcast %xor3A_743 : i32 to vector<16xi32>
      %xor3A_745 = arith.xori %iota3A_742, %xor3A_744 : vector<16xi32>
      %reshape3A_746 = vector.shape_cast %xor3A_745 : vector<16xi32> to vector<16x1xi32>
      %gather3A_747 = vector.shape_cast %reshape3A_746 : vector<16x1xi32> to vector<16xi32>
      %gather3A_748 = tpu.dynamic_gather %add3A_741[%gather3A_747] in [0] : vector<16xf32>, vector<16xi32> -> vector<16xf32>
      %add3A_749 = arith.addf %add3A_741, %gather3A_748 : vector<16xf32>
      %iota3A_750 = tpu.iota {dimensions = array<i32: 0>} : vector<16xi32>
      %xor3A_751 = arith.constant 2 : i32
      %xor3A_752 = vector.broadcast %xor3A_751 : i32 to vector<16xi32>
      %xor3A_753 = arith.xori %iota3A_750, %xor3A_752 : vector<16xi32>
      %reshape3A_754 = vector.shape_cast %xor3A_753 : vector<16xi32> to vector<16x1xi32>
      %gather3A_755 = vector.shape_cast %reshape3A_754 : vector<16x1xi32> to vector<16xi32>
      %gather3A_756 = tpu.dynamic_gather %add3A_749[%gather3A_755] in [0] : vector<16xf32>, vector<16xi32> -> vector<16xf32>
      %add3A_757 = arith.addf %add3A_749, %gather3A_756 : vector<16xf32>
      %iota3A_758 = tpu.iota {dimensions = array<i32: 0>} : vector<16xi32>
      %xor3A_759 = arith.constant 1 : i32
      %xor3A_760 = vector.broadcast %xor3A_759 : i32 to vector<16xi32>
      %xor3A_761 = arith.xori %iota3A_758, %xor3A_760 : vector<16xi32>
      %reshape3A_762 = vector.shape_cast %xor3A_761 : vector<16xi32> to vector<16x1xi32>
      %gather3A_763 = vector.shape_cast %reshape3A_762 : vector<16x1xi32> to vector<16xi32>
      %gather3A_764 = tpu.dynamic_gather %add3A_757[%gather3A_763] in [0] : vector<16xf32>, vector<16xi32> -> vector<16xf32>
      %add3A_765 = arith.addf %add3A_757, %gather3A_764 : vector<16xf32>
      %iota3A_766 = tpu.iota {dimensions = array<i32: 0>} : vector<16xi32>
      %eq3A_767 = arith.constant 12 : i32
      %eq3A_768 = vector.broadcast %eq3A_767 : i32 to vector<16xi32>
      %eq3A_769 = arith.cmpi eq, %iota3A_766, %eq3A_768 : vector<16xi32>
      %select_n3A_770 = arith.select %eq3A_769, %add3A_765, %select_n3A_712 : vector<16xi1>, vector<16xf32>
      %add3A_771 = arith.constant 13 : i32
      %add3A_772 = arith.addi %mul3A_22, %add3A_771 : i32
      %get3A_773 = arith.index_cast %add3A_772 : i32 to index
      %get3A_774 = arith.constant 0 : index
      %get3A_775 = tpu.vector_load %arg9[%get3A_773, %get3A_774] {strides = array<i32>} : memref<512x32xf32, #tpu.memory_space<vmem>>, vector<1x16xf32>,
      %get3A_776 = vector.shape_cast %get3A_775 : vector<1x16xf32> to vector<16xf32>
      %get3A_777 = arith.index_cast %add3A_772 : i32 to index
      %get3A_778 = arith.constant 16 : index
      %get3A_779 = tpu.vector_load %arg9[%get3A_777, %get3A_778] {strides = array<i32>} : memref<512x32xf32, #tpu.memory_space<vmem>>, vector<1x16xf32>,
      %get3A_780 = vector.shape_cast %get3A_779 : vector<1x16xf32> to vector<16xf32>
      %get3A_781 = arith.index_cast %add3A_772 : i32 to index
      %get3A_782 = arith.constant 0 : index
      %get3A_783 = tpu.vector_load %arg10[%get3A_781, %get3A_782] {strides = array<i32>} : memref<512x32xf32, #tpu.memory_space<vmem>>, vector<1x16xf32>,
      %get3A_784 = vector.shape_cast %get3A_783 : vector<1x16xf32> to vector<16xf32>
      %get3A_785 = arith.index_cast %add3A_772 : i32 to index
      %get3A_786 = arith.constant 16 : index
      %get3A_787 = tpu.vector_load %arg10[%get3A_785, %get3A_786] {strides = array<i32>} : memref<512x32xf32, #tpu.memory_space<vmem>>, vector<1x16xf32>,
      %get3A_788 = vector.shape_cast %get3A_787 : vector<1x16xf32> to vector<16xf32>
      %mul3A_789 = arith.mulf %get3A_776, %get3A_784 : vector<16xf32>
      %mul3A_790 = arith.mulf %get3A_780, %get3A_788 : vector<16xf32>
      %add3A_791 = arith.addf %mul3A_789, %mul3A_790 : vector<16xf32>
      %iota3A_792 = tpu.iota {dimensions = array<i32: 0>} : vector<16xi32>
      %xor3A_793 = arith.constant 8 : i32
      %xor3A_794 = vector.broadcast %xor3A_793 : i32 to vector<16xi32>
      %xor3A_795 = arith.xori %iota3A_792, %xor3A_794 : vector<16xi32>
      %reshape3A_796 = vector.shape_cast %xor3A_795 : vector<16xi32> to vector<16x1xi32>
      %gather3A_797 = vector.shape_cast %reshape3A_796 : vector<16x1xi32> to vector<16xi32>
      %gather3A_798 = tpu.dynamic_gather %add3A_791[%gather3A_797] in [0] : vector<16xf32>, vector<16xi32> -> vector<16xf32>
      %add3A_799 = arith.addf %add3A_791, %gather3A_798 : vector<16xf32>
      %iota3A_800 = tpu.iota {dimensions = array<i32: 0>} : vector<16xi32>
      %xor3A_801 = arith.constant 4 : i32
      %xor3A_802 = vector.broadcast %xor3A_801 : i32 to vector<16xi32>
      %xor3A_803 = arith.xori %iota3A_800, %xor3A_802 : vector<16xi32>
      %reshape3A_804 = vector.shape_cast %xor3A_803 : vector<16xi32> to vector<16x1xi32>
      %gather3A_805 = vector.shape_cast %reshape3A_804 : vector<16x1xi32> to vector<16xi32>
      %gather3A_806 = tpu.dynamic_gather %add3A_799[%gather3A_805] in [0] : vector<16xf32>, vector<16xi32> -> vector<16xf32>
      %add3A_807 = arith.addf %add3A_799, %gather3A_806 : vector<16xf32>
      %iota3A_808 = tpu.iota {dimensions = array<i32: 0>} : vector<16xi32>
      %xor3A_809 = arith.constant 2 : i32
      %xor3A_810 = vector.broadcast %xor3A_809 : i32 to vector<16xi32>
      %xor3A_811 = arith.xori %iota3A_808, %xor3A_810 : vector<16xi32>
      %reshape3A_812 = vector.shape_cast %xor3A_811 : vector<16xi32> to vector<16x1xi32>
      %gather3A_813 = vector.shape_cast %reshape3A_812 : vector<16x1xi32> to vector<16xi32>
      %gather3A_814 = tpu.dynamic_gather %add3A_807[%gather3A_813] in [0] : vector<16xf32>, vector<16xi32> -> vector<16xf32>
      %add3A_815 = arith.addf %add3A_807, %gather3A_814 : vector<16xf32>
      %iota3A_816 = tpu.iota {dimensions = array<i32: 0>} : vector<16xi32>
      %xor3A_817 = arith.constant 1 : i32
      %xor3A_818 = vector.broadcast %xor3A_817 : i32 to vector<16xi32>
      %xor3A_819 = arith.xori %iota3A_816, %xor3A_818 : vector<16xi32>
      %reshape3A_820 = vector.shape_cast %xor3A_819 : vector<16xi32> to vector<16x1xi32>
      %gather3A_821 = vector.shape_cast %reshape3A_820 : vector<16x1xi32> to vector<16xi32>
      %gather3A_822 = tpu.dynamic_gather %add3A_815[%gather3A_821] in [0] : vector<16xf32>, vector<16xi32> -> vector<16xf32>
      %add3A_823 = arith.addf %add3A_815, %gather3A_822 : vector<16xf32>
      %iota3A_824 = tpu.iota {dimensions = array<i32: 0>} : vector<16xi32>
      %eq3A_825 = arith.constant 13 : i32
      %eq3A_826 = vector.broadcast %eq3A_825 : i32 to vector<16xi32>
      %eq3A_827 = arith.cmpi eq, %iota3A_824, %eq3A_826 : vector<16xi32>
      %select_n3A_828 = arith.select %eq3A_827, %add3A_823, %select_n3A_770 : vector<16xi1>, vector<16xf32>
      %add3A_829 = arith.constant 14 : i32
      %add3A_830 = arith.addi %mul3A_22, %add3A_829 : i32
      %get3A_831 = arith.index_cast %add3A_830 : i32 to index
      %get3A_832 = arith.constant 0 : index
      %get3A_833 = tpu.vector_load %arg9[%get3A_831, %get3A_832] {strides = array<i32>} : memref<512x32xf32, #tpu.memory_space<vmem>>, vector<1x16xf32>,
      %get3A_834 = vector.shape_cast %get3A_833 : vector<1x16xf32> to vector<16xf32>
      %get3A_835 = arith.index_cast %add3A_830 : i32 to index
      %get3A_836 = arith.constant 16 : index
      %get3A_837 = tpu.vector_load %arg9[%get3A_835, %get3A_836] {strides = array<i32>} : memref<512x32xf32, #tpu.memory_space<vmem>>, vector<1x16xf32>,
      %get3A_838 = vector.shape_cast %get3A_837 : vector<1x16xf32> to vector<16xf32>
      %get3A_839 = arith.index_cast %add3A_830 : i32 to index
      %get3A_840 = arith.constant 0 : index
      %get3A_841 = tpu.vector_load %arg10[%get3A_839, %get3A_840] {strides = array<i32>} : memref<512x32xf32, #tpu.memory_space<vmem>>, vector<1x16xf32>,
      %get3A_842 = vector.shape_cast %get3A_841 : vector<1x16xf32> to vector<16xf32>
      %get3A_843 = arith.index_cast %add3A_830 : i32 to index
      %get3A_844 = arith.constant 16 : index
      %get3A_845 = tpu.vector_load %arg10[%get3A_843, %get3A_844] {strides = array<i32>} : memref<512x32xf32, #tpu.memory_space<vmem>>, vector<1x16xf32>,
      %get3A_846 = vector.shape_cast %get3A_845 : vector<1x16xf32> to vector<16xf32>
      %mul3A_847 = arith.mulf %get3A_834, %get3A_842 : vector<16xf32>
      %mul3A_848 = arith.mulf %get3A_838, %get3A_846 : vector<16xf32>
      %add3A_849 = arith.addf %mul3A_847, %mul3A_848 : vector<16xf32>
      %iota3A_850 = tpu.iota {dimensions = array<i32: 0>} : vector<16xi32>
      %xor3A_851 = arith.constant 8 : i32
      %xor3A_852 = vector.broadcast %xor3A_851 : i32 to vector<16xi32>
      %xor3A_853 = arith.xori %iota3A_850, %xor3A_852 : vector<16xi32>
      %reshape3A_854 = vector.shape_cast %xor3A_853 : vector<16xi32> to vector<16x1xi32>
      %gather3A_855 = vector.shape_cast %reshape3A_854 : vector<16x1xi32> to vector<16xi32>
      %gather3A_856 = tpu.dynamic_gather %add3A_849[%gather3A_855] in [0] : vector<16xf32>, vector<16xi32> -> vector<16xf32>
      %add3A_857 = arith.addf %add3A_849, %gather3A_856 : vector<16xf32>
      %iota3A_858 = tpu.iota {dimensions = array<i32: 0>} : vector<16xi32>
      %xor3A_859 = arith.constant 4 : i32
      %xor3A_860 = vector.broadcast %xor3A_859 : i32 to vector<16xi32>
      %xor3A_861 = arith.xori %iota3A_858, %xor3A_860 : vector<16xi32>
      %reshape3A_862 = vector.shape_cast %xor3A_861 : vector<16xi32> to vector<16x1xi32>
      %gather3A_863 = vector.shape_cast %reshape3A_862 : vector<16x1xi32> to vector<16xi32>
      %gather3A_864 = tpu.dynamic_gather %add3A_857[%gather3A_863] in [0] : vector<16xf32>, vector<16xi32> -> vector<16xf32>
      %add3A_865 = arith.addf %add3A_857, %gather3A_864 : vector<16xf32>
      %iota3A_866 = tpu.iota {dimensions = array<i32: 0>} : vector<16xi32>
      %xor3A_867 = arith.constant 2 : i32
      %xor3A_868 = vector.broadcast %xor3A_867 : i32 to vector<16xi32>
      %xor3A_869 = arith.xori %iota3A_866, %xor3A_868 : vector<16xi32>
      %reshape3A_870 = vector.shape_cast %xor3A_869 : vector<16xi32> to vector<16x1xi32>
      %gather3A_871 = vector.shape_cast %reshape3A_870 : vector<16x1xi32> to vector<16xi32>
      %gather3A_872 = tpu.dynamic_gather %add3A_865[%gather3A_871] in [0] : vector<16xf32>, vector<16xi32> -> vector<16xf32>
      %add3A_873 = arith.addf %add3A_865, %gather3A_872 : vector<16xf32>
      %iota3A_874 = tpu.iota {dimensions = array<i32: 0>} : vector<16xi32>
      %xor3A_875 = arith.constant 1 : i32
      %xor3A_876 = vector.broadcast %xor3A_875 : i32 to vector<16xi32>
      %xor3A_877 = arith.xori %iota3A_874, %xor3A_876 : vector<16xi32>
      %reshape3A_878 = vector.shape_cast %xor3A_877 : vector<16xi32> to vector<16x1xi32>
      %gather3A_879 = vector.shape_cast %reshape3A_878 : vector<16x1xi32> to vector<16xi32>
      %gather3A_880 = tpu.dynamic_gather %add3A_873[%gather3A_879] in [0] : vector<16xf32>, vector<16xi32> -> vector<16xf32>
      %add3A_881 = arith.addf %add3A_873, %gather3A_880 : vector<16xf32>
      %iota3A_882 = tpu.iota {dimensions = array<i32: 0>} : vector<16xi32>
      %eq3A_883 = arith.constant 14 : i32
      %eq3A_884 = vector.broadcast %eq3A_883 : i32 to vector<16xi32>
      %eq3A_885 = arith.cmpi eq, %iota3A_882, %eq3A_884 : vector<16xi32>
      %select_n3A_886 = arith.select %eq3A_885, %add3A_881, %select_n3A_828 : vector<16xi1>, vector<16xf32>
      %add3A_887 = arith.constant 15 : i32
      %add3A_888 = arith.addi %mul3A_22, %add3A_887 : i32
      %get3A_889 = arith.index_cast %add3A_888 : i32 to index
      %get3A_890 = arith.constant 0 : index
      %get3A_891 = tpu.vector_load %arg9[%get3A_889, %get3A_890] {strides = array<i32>} : memref<512x32xf32, #tpu.memory_space<vmem>>, vector<1x16xf32>,
      %get3A_892 = vector.shape_cast %get3A_891 : vector<1x16xf32> to vector<16xf32>
      %get3A_893 = arith.index_cast %add3A_888 : i32 to index
      %get3A_894 = arith.constant 16 : index
      %get3A_895 = tpu.vector_load %arg9[%get3A_893, %get3A_894] {strides = array<i32>} : memref<512x32xf32, #tpu.memory_space<vmem>>, vector<1x16xf32>,
      %get3A_896 = vector.shape_cast %get3A_895 : vector<1x16xf32> to vector<16xf32>
      %get3A_897 = arith.index_cast %add3A_888 : i32 to index
      %get3A_898 = arith.constant 0 : index
      %get3A_899 = tpu.vector_load %arg10[%get3A_897, %get3A_898] {strides = array<i32>} : memref<512x32xf32, #tpu.memory_space<vmem>>, vector<1x16xf32>,
      %get3A_900 = vector.shape_cast %get3A_899 : vector<1x16xf32> to vector<16xf32>
      %get3A_901 = arith.index_cast %add3A_888 : i32 to index
      %get3A_902 = arith.constant 16 : index
      %get3A_903 = tpu.vector_load %arg10[%get3A_901, %get3A_902] {strides = array<i32>} : memref<512x32xf32, #tpu.memory_space<vmem>>, vector<1x16xf32>,
      %get3A_904 = vector.shape_cast %get3A_903 : vector<1x16xf32> to vector<16xf32>
      %mul3A_905 = arith.mulf %get3A_892, %get3A_900 : vector<16xf32>
      %mul3A_906 = arith.mulf %get3A_896, %get3A_904 : vector<16xf32>
      %add3A_907 = arith.addf %mul3A_905, %mul3A_906 : vector<16xf32>
      %iota3A_908 = tpu.iota {dimensions = array<i32: 0>} : vector<16xi32>
      %xor3A_909 = arith.constant 8 : i32
      %xor3A_910 = vector.broadcast %xor3A_909 : i32 to vector<16xi32>
      %xor3A_911 = arith.xori %iota3A_908, %xor3A_910 : vector<16xi32>
      %reshape3A_912 = vector.shape_cast %xor3A_911 : vector<16xi32> to vector<16x1xi32>
      %gather3A_913 = vector.shape_cast %reshape3A_912 : vector<16x1xi32> to vector<16xi32>
      %gather3A_914 = tpu.dynamic_gather %add3A_907[%gather3A_913] in [0] : vector<16xf32>, vector<16xi32> -> vector<16xf32>
      %add3A_915 = arith.addf %add3A_907, %gather3A_914 : vector<16xf32>
      %iota3A_916 = tpu.iota {dimensions = array<i32: 0>} : vector<16xi32>
      %xor3A_917 = arith.constant 4 : i32
      %xor3A_918 = vector.broadcast %xor3A_917 : i32 to vector<16xi32>
      %xor3A_919 = arith.xori %iota3A_916, %xor3A_918 : vector<16xi32>
      %reshape3A_920 = vector.shape_cast %xor3A_919 : vector<16xi32> to vector<16x1xi32>
      %gather3A_921 = vector.shape_cast %reshape3A_920 : vector<16x1xi32> to vector<16xi32>
      %gather3A_922 = tpu.dynamic_gather %add3A_915[%gather3A_921] in [0] : vector<16xf32>, vector<16xi32> -> vector<16xf32>
      %add3A_923 = arith.addf %add3A_915, %gather3A_922 : vector<16xf32>
      %iota3A_924 = tpu.iota {dimensions = array<i32: 0>} : vector<16xi32>
      %xor3A_925 = arith.constant 2 : i32
      %xor3A_926 = vector.broadcast %xor3A_925 : i32 to vector<16xi32>
      %xor3A_927 = arith.xori %iota3A_924, %xor3A_926 : vector<16xi32>
      %reshape3A_928 = vector.shape_cast %xor3A_927 : vector<16xi32> to vector<16x1xi32>
      %gather3A_929 = vector.shape_cast %reshape3A_928 : vector<16x1xi32> to vector<16xi32>
      %gather3A_930 = tpu.dynamic_gather %add3A_923[%gather3A_929] in [0] : vector<16xf32>, vector<16xi32> -> vector<16xf32>
      %add3A_931 = arith.addf %add3A_923, %gather3A_930 : vector<16xf32>
      %iota3A_932 = tpu.iota {dimensions = array<i32: 0>} : vector<16xi32>
      %xor3A_933 = arith.constant 1 : i32
      %xor3A_934 = vector.broadcast %xor3A_933 : i32 to vector<16xi32>
      %xor3A_935 = arith.xori %iota3A_932, %xor3A_934 : vector<16xi32>
      %reshape3A_936 = vector.shape_cast %xor3A_935 : vector<16xi32> to vector<16x1xi32>
      %gather3A_937 = vector.shape_cast %reshape3A_936 : vector<16x1xi32> to vector<16xi32>
      %gather3A_938 = tpu.dynamic_gather %add3A_931[%gather3A_937] in [0] : vector<16xf32>, vector<16xi32> -> vector<16xf32>
      %add3A_939 = arith.addf %add3A_931, %gather3A_938 : vector<16xf32>
      %iota3A_940 = tpu.iota {dimensions = array<i32: 0>} : vector<16xi32>
      %eq3A_941 = arith.constant 15 : i32
      %eq3A_942 = vector.broadcast %eq3A_941 : i32 to vector<16xi32>
      %eq3A_943 = arith.cmpi eq, %iota3A_940, %eq3A_942 : vector<16xi32>
      %select_n3A_944 = arith.select %eq3A_943, %add3A_939, %select_n3A_886 : vector<16xi1>, vector<16xf32>
      %neg3A = arith.constant 0.000000e+00 : f32
      %neg3A_945 = vector.broadcast %neg3A : f32 to vector<16xf32>
      %neg3A_946 = arith.subf %neg3A_945, %select_n3A_944 : vector<16xf32>
      %exp3A = math.exp %neg3A_946 : vector<16xf32>
      %add3A_947 = arith.constant 1.000000e+00 : f32
      %add3A_948 = vector.broadcast %add3A_947 : f32 to vector<16xf32>
      %add3A_949 = arith.addf %add3A_948, %exp3A : vector<16xf32>
      %div3A = arith.constant 1.000000e+00 : f32
      %div3A_950 = vector.broadcast %div3A : f32 to vector<16xf32>
      %div3A_951 = arith.divf %div3A_950, %add3A_949 : vector<16xf32>
      %swap3A = arith.index_cast %mul3A_22 : i32 to index
      %swap3A_952 = tpu.vector_load %arg11[%swap3A] {strides = array<i32>} : memref<512xf32, #tpu.memory_space<vmem>>, vector<16xf32>,
      %swap3A_953 = vector.shape_cast %swap3A_952 : vector<16xf32> to vector<16xf32>
      %swap3A_954 = vector.shape_cast %div3A_951 : vector<16xf32> to vector<16xf32>
      tpu.vector_store %arg11[%swap3A], %swap3A_954 {strides = array<i32>} : memref<512xf32, #tpu.memory_space<vmem>>, vector<16xf32>,
      %scan3A_955 = arith.constant 0 : i32
      scf.yield %scan3A_955 : i32
    }
    %scan3A_18 = arith.constant 32 : i32
    "tpu.region"() ({
      %run_scoped3A = tpu.sem_alloc : memref<!tpu.dma_semaphore, #tpu.memory_space<semaphore_mem>>
      %dma_start3A_19 = tpu.memref_slice %arg6[%mul3A_2] : memref<16384xf32, #tpu.memory_space<hbm>> -> memref<512xf32, #tpu.memory_space<hbm>>
      %dma_start3A_20 = tpu.memref_slice %arg6[%mul3A_2] : memref<16384xf32, #tpu.memory_space<hbm>> -> memref<512xf32, #tpu.memory_space<hbm>>
      tpu.enqueue_dma source(%arg11 : memref<512xf32, #tpu.memory_space<vmem>>) target(%dma_start3A_20 : memref<512xf32, #tpu.memory_space<hbm>>) target_semaphore(%run_scoped3A : memref<!tpu.dma_semaphore, #tpu.memory_space<semaphore_mem>>)
      %dma_wait3A_21 = tpu.memref_slice %arg6[%mul3A_2] : memref<16384xf32, #tpu.memory_space<hbm>> -> memref<512xf32, #tpu.memory_space<hbm>>
      %dma_wait3A_22 = tpu.memref_slice %arg6[%mul3A_2] : memref<16384xf32, #tpu.memory_space<hbm>> -> memref<512xf32, #tpu.memory_space<hbm>>
      tpu.wait_dma2 semaphore(%run_scoped3A : memref<!tpu.dma_semaphore, #tpu.memory_space<semaphore_mem>>) src(%arg11 : memref<512xf32, #tpu.memory_space<vmem>>) dst(%dma_wait3A_22 : memref<512xf32, #tpu.memory_space<hbm>>)
      tpu.yield
    }) : () -> ()
    return
  }
}

</mosaic_0001>

<sc_bundles>
// kernel: kernel.3.cloned.1.call-start
scs
__scs_entry_jumppad:
0x0: {  	(pc) =	sbr.rel $0x88, $3  }
0x1: {  	(tag) =	ssettag $0x0;
	lr =	simm.s32 $0x1  }
0x2: {  	[smem:$0x3F9D] =	sst lr;
	_ =	strace $0xD0000000  }
0x3: {  	_ = 	snop  }
0x4: {  	_ = 	snop  }
0x5: {  	_ = 	snop  }
0x6: {  	_ = 	snop  }
0x7: {  	_ = 	snop  }
__scs_overlays_trampoline_lowered:
0x8: {  	[smem:$0x3FAC] =	sst s0  }
0x9: {  	[smem:$0x3FAD] =	sst s1  }
0xa: {  	[smem:$0x3FAE] =	sst s2  }
0xb: {  	[smem:$0x3FAF] =	sst s3  }
0xc: {  	[smem:$0x3FB0] =	sst s4  }
0xd: {  	[smem:$0x3FB1] =	sst s5  }
0xe: {  	[smem:$0x3FB2] =	sst s6  }
0xf: {  	[smem:$0x3FB3] =	sst s7  }
0x10: {  	[smem:$0x3FB4] =	sst s8  }
0x11: {  	[smem:$0x3FB5] =	sst s9;
	s0 =	simm.s32 @!p0 $0x0  }
0x12: {  	s1 =	sld [smem:$0x3F9B];
	s0 =	simm.s32 @p0 $0x1  }
0x13: {  	[smem:$0x3FB6] =	sst s0;
	s0 =	simm.s32 @!p1 $0x0  }
0x14: {  	s2 =	sld [smem:$0x3F9A];
	s0 =	simm.s32 @p1 $0x1  }
0x15: {  	[smem:$0x3FB7] =	sst s0;
	s0 =	simm.s32 @!p2 $0x0  }
0x16: {  	s3 =	sld [smem:$0x3FDB];
	s0 =	simm.s32 @p2 $0x1  }
0x17: {  	s4 =	simm.s32 $0x1BF5;
	[smem:$0x3FB9] =	sst s0  }
0x18: {  	s0 =	sld [smem:$0x3F9C];
	_ =	swait.ge [sflag:s4], $0x0  }
0x19: {  	s7 =	sld [smem:$0x3F9D]  }
0x1a: {  	s8 =	sadd.s32 $0xFFFFE003, lr  }
0x1b: {  	s9 =	sadd.s32 $0xFFFFFEF7, lr;
	s5 =	simm.s32 $0xFFFFFFFF;
	p2 =	slt.u32 s8, $0xFFFFF086  }
0x1c: {  	p1 =	slt.u32 s9, $0xF7A;
	s5 =	simm.s32 @!p2 $0x0  }
0x1d: {  	s5 =	simm.s32 @p1 $0x1;
	p0 =	seq.s32 s7, s2  }
0x1e: {  	s7 =	smul.u32 @!p0 $0xF7A, s2;
	p2 =	seq.s32 @!p0 s5, $0x0  }
0x1f: {  	s9 =	smul.u32 $0xF7A, s1;
	s8 =	simm.s32 @!p0 $0x1BF5;
	p2 =	por !p2, p0  }
0x20: {  	[sflag:s8] =	ssyncset.s32 @!p0 $0xFFFFF086;
	s6 =	sadd.s32 @!p0 s3, s7;
	s7 =	simm.s32 @!p0 $0x108  }
0x21: {  	s3 =	sadd.s32 s3, s9;
	s6 =	sadd.s32 @!p0 $0x88, s6;
	s7 =	simm.s32 @p2 $0x1082  }
0x22: {  	[simem:s7], [sflag:s8] =	dma.local @!p0 [hbm:s6], $0xF7A  }
0x23: {  	s9 =	sor.u32 $0xD0000000, s2;
	s6 =	simm.s32 $0x108;
	_ =	swait.ge @!p0 [sflag:s8], $0x0  }
0x24: {  	s3 =	sadd.s32 $0x88, s3;
	s6 =	simm.s32 @!p1 $0x1082;
	[sflag:s4] =	ssyncset.s32 $0xFFFFF086  }
0x25: {  	[simem:s6], [sflag:s4] =	dma.local [hbm:s3], $0xF7A  }
0x26: {  	[smem:$0x3F9D] =	sst s1;
	(tag) =	ssettag s2;
	_ =	strace s9  }
0x27: {  	s1 =	sld [smem:$0x3FAD]  }
0x28: {  	s2 =	sld [smem:$0x3FAE]  }
0x29: {  	s4 =	sld [smem:$0x3FB0]  }
0x2a: {  	p0 =	seq.s32 s5, $0x0;
	s5 =	sld [smem:$0x3FB1]  }
0x2b: {  	s6 =	sld [smem:$0x3FB2]  }
0x2c: {  	s7 =	sld [smem:$0x3FB3]  }
0x2d: {  	s3 =	simm.s32 $0x108;
	s8 =	sld [smem:$0x3FB4]  }
0x2e: {  	s3 =	simm.s32 @!p0 $0x1082;
	s9 =	sld [smem:$0x3FB5]  }
0x2f: {  	lr =	sadd.s32 s0, s3;
	s0 =	sld [smem:$0x3FAC]  }
0x30: {  	s3 =	sld [smem:$0x3FAF]  }
0x31: {  	[smem:$0x3FB8] =	sst s10  }
0x32: {  	s10 =	sld [smem:$0x3FB6];
	_ =	sdelay $0x3  }
0x33: {  	p0 =	seq.s32 s10, $0x1;
	s10 =	sld [smem:$0x3FB8];
	_ =	sdelay $0x3  }
0x34: {  	[smem:$0x3FB8] =	sst s10  }
0x35: {  	s10 =	sld [smem:$0x3FB7];
	_ =	sdelay $0x3  }
0x36: {  	p1 =	seq.s32 s10, $0x1;
	s10 =	sld [smem:$0x3FB8];
	_ =	sdelay $0x3  }
0x37: {  	[smem:$0x3FB8] =	sst s10  }
0x38: {  	s10 =	sld [smem:$0x3FB9]  }
0x39: {  	_ = 	snop;
	(pc) =	sbr.ind lr, $3  }
0x3a: {  	_ = 	snop  }
0x3b: {  	_ = 	snop  }
0x3c: {  	p2 =	seq.s32 s10, $0x1;
	s10 =	sld [smem:$0x3FB8]  }
0x3d: {  	_ =	shalt  }
0x3e: {  	_ =	shalt  }
0x3f: {  	_ =	shalt  }
0x40: {  	_ =	shalt  }
0x41: {  	_ =	shalt  }
0x42: {  	_ =	shalt  }
0x43: {  	_ =	shalt  }
0x44: {  	_ =	shalt  }
0x45: {  	_ =	shalt  }
0x46: {  	_ =	shalt  }
0x47: {  	_ =	shalt  }
0x48: {  	_ =	shalt  }
0x49: {  	_ =	shalt  }
0x4a: {  	_ =	shalt  }
0x4b: {  	_ =	shalt  }
0x4c: {  	_ =	shalt  }
0x4d: {  	_ =	shalt  }
0x4e: {  	_ =	shalt  }
0x4f: {  	_ =	shalt  }
0x50: {  	_ =	shalt  }
0x51: {  	_ =	shalt  }
0x52: {  	_ =	shalt  }
0x53: {  	_ =	shalt  }
0x54: {  	_ =	shalt  }
0x55: {  	_ =	shalt  }
0x56: {  	_ =	shalt  }
0x57: {  	_ =	shalt  }
0x58: {  	_ =	shalt  }
0x59: {  	_ =	shalt  }
0x5a: {  	_ =	shalt  }
0x5b: {  	_ =	shalt  }
0x5c: {  	_ =	shalt  }
0x5d: {  	_ =	shalt  }
0x5e: {  	_ =	shalt  }
0x5f: {  	_ =	shalt  }
0x60: {  	_ =	shalt  }
0x61: {  	_ =	shalt  }
0x62: {  	_ =	shalt  }
0x63: {  	_ =	shalt  }
0x64: {  	_ =	shalt  }
0x65: {  	_ =	shalt  }
0x66: {  	_ =	shalt  }
0x67: {  	_ =	shalt  }
0x68: {  	_ =	shalt  }
0x69: {  	_ =	shalt  }
0x6a: {  	_ =	shalt  }
0x6b: {  	_ =	shalt  }
0x6c: {  	_ =	shalt  }
0x6d: {  	_ =	shalt  }
0x6e: {  	_ =	shalt  }
0x6f: {  	_ =	shalt  }
0x70: {  	_ =	shalt  }
0x71: {  	_ =	shalt  }
0x72: {  	_ =	shalt  }
0x73: {  	_ =	shalt  }
0x74: {  	_ =	shalt  }
0x75: {  	_ =	shalt  }
0x76: {  	_ =	shalt  }
0x77: {  	_ =	shalt  }
0x78: {  	_ =	shalt  }
0x79: {  	_ =	shalt  }
0x7a: {  	_ =	shalt  }
0x7b: {  	_ =	shalt  }
0x7c: {  	_ =	shalt  }
0x7d: {  	_ =	shalt  }
0x7e: {  	_ =	shalt  }
0x7f: {  	_ =	shalt  }
0x80: {  	_ =	shalt  }
0x81: {  	_ =	shalt  }
0x82: {  	_ =	shalt  }
0x83: {  	_ =	shalt  }
0x84: {  	_ =	shalt  }
0x85: {  	_ =	shalt  }
0x86: {  	_ =	shalt  }
0x87: {  	_ =	shalt  }
.Lfunc_end0:
.L_simem_size_0:
called_computation_lowered:
.L_overlay_start_0:
0x88: {  	s2 =	sld [smem:$0x3FD9]  }
0x89: {  	s3 =	sld [smem:$0x3FFE];
	_ =	sdelay $0x1  }
0x8a: {  	s1 =	srdreg.scid  }
0x8b: {  	s0 =	sand.u32 $0x1, s1  }
0x8c: {  	s17 =	sshll.u32 s0, $0xA;
	s2 =	sadd.s32 s3, s2  }
0x8d: {  	s2 =	sadd.s32 s2, s17  }
0x8e: {  	[smem:$0x3FC4] =	sst s2  }
0x8f: {  	_ = 	snop  }
0x90: {  	s2 =	sld [smem:$0x3FC9]  }
0x91: {  	s18 =	sld [smem:$0x3FC8]  }
0x92: {  	s4 =	sld [smem:$0x3FD0];
	(tm) =	ssettm $0x1  }
0x93: {  	s5 =	sld [smem:$0x3FFB];
	_ =	sdelay $0x3  }
0x94: {  	_ =	strace s5  }
0x95: {  	s5 =	sld [smem:$0x3FFC];
	_ =	sdelay $0x3  }
0x96: {  	_ =	strace s5  }
0x97: {  	s5 =	sld [smem:$0x3FFD];
	_ =	sdelay $0x3  }
0x98: {  	_ =	strace s5  }
0x99: {  	_ =	strace $0x8FFFFFFF  }
0x9a: {  	s19 =	sld [smem:$0x3FDB];
	_ =	sdelay $0x1  }
0x9b: {  	s6 =	simm.s32 $_scs_section_size  }
0x9c: {  	s7 =	simm.s32 $_size__tile_overlayer_lowered;
	s8 =	simm.s32 $_tile_overlayer_lowered  }
0x9d: {  	s22 =	simm.s32 $0x1BFF;
	s21 =	sshll.u32 s8, $0x1;
	s5 =	sadd.s32 s6, s19  }
0x9e: {  	s9 =	simm.s32 $0x0;
	s20 =	sshll.u32 s7, $0x1;
	s7 =	sadd.s32 s21, s5  }
0x9f: {  	[timem:s9], [sflag:s22] =	dma.local [hbm:s7], s20  }
0xa0: {  	_ =	swait.ge [sflag:s22], s20  }
0xa1: {  	s6 =	ssub.s32 $0x0, s20;
	[sflag:s22] =	ssyncset.done $0x0  }
0xa2: {  	[sflag:s22] =	ssyncadd.s32 s6;
	_ =	sdelay $0x1  }
0xa3: {  	s23 =	simm.s32 $0x1B8B  }
0xa4: {  	_ =	swait.ge [sflag:s23], $0x1  }
0xa5: {  	[sflag:s23] =	ssyncset.done $0x0  }
0xa6: {  	s25 =	simm.s32 $0x1B8E;
	s24 =	sld [smem:$0x3FFE];
	[sflag:s23] =	ssyncadd.s32 $0xFFFFFFFF  }
0xa7: {  	s26 =	simm.s32 $execute0_lowered;
	[smem:$0x3FD2] =	sst s25  }
0xa8: {  	s7 =	sshll.u32 s26, $0x1;
	_ =	strace $0x80000046;
	[dreg:$0x1] =	wrdreg $0xFFFFFFFF  }
0xa9: {  	s28 =	simm.s32 $_size_execute0_lowered;
	s5 =	sadd.s32 s5, s7;
	[dreg:$0x0] =	wrdreg $0x0  }
0xaa: {  	s7 =	sshll.u32 s28, $0x1;
	[dreg:$0x2] =	wrdreg s5  }
0xab: {  	[dreg:$0x3] =	wrdreg s7  }
0xac: {  	[dreg:$0x4] =	wrdreg $0xC0  }
0xad: {  	_ =	task [dreg:s9], $0x5FFFF  }
0xae: {  	[dreg:$0x1] =	wrdreg $0xFFFFFFFF  }
0xaf: {  	[dreg:$0x0] =	wrdreg $0x60  }
0xb0: {  	[dreg:$0x2] =	wrdreg s2  }
0xb1: {  	[dreg:$0x3] =	wrdreg s18  }
0xb2: {  	[dreg:$0x4] =	wrdreg s24  }
0xb3: {  	[dreg:$0x5] =	wrdreg s4  }
0xb4: {  	[dreg:$0x6] =	wrdreg $0x9  }
0xb5: {  	_ =	task.clear_ibuf [dreg:s9], $0x7FFFF;
	_ =	strace $0x90000046  }
0xb6: {  	s29 =	simm.s32 $0x9;
	_ =	strace $0x80000048  }
0xb7: {  	_ =	swait.ge [sflag:s29], $0x1  }
0xb8: {  	[sflag:s29] =	ssyncadd.s32 $0xFFFFFFFF  }
0xb9: {  	_ =	strace $0x90000048  }
0xba: {  	_ =	sfence  }
0xbb: {  	s30 =	sld [smem:$0x0];
	_ =	sdelay $0x2  }
0xbc: {  	s31 =	sshll.u32 s1, $0xD;
	s1 =	sshrl.u32 s1, $0x2  }
0xbd: {  	s3 =	sand.u32 $0x4000, s31;
	s1 =	sadd.s32 s1, s30  }
0xbe: {  	s0 =	sor.u32 s3, s0;
	s1 =	sshll.u32 s1, $0x11  }
0xbf: {  	s0 =	sor.u32 s1, s0  }
0xc0: {  	s0 =	sadd.s32 $0x8F2B, s0  }
0xc1: {  	[sflag:s0] =	ssyncadd.remote.s32 $0x1  }
0xc2: {  	_ =	sfence.sel $0xFFFF  }
0xc3: {  	[dreg:$0x0] =	wrdreg $0xFFFFFFFF;
	(pc) =	sbr.abs _section_cstart, $3  }
0xc4: {  	[dreg:$0x1] =	wrdreg $0xFFFFFFFF  }
0xc5: {  	_ =	task.clear_ibuf [dreg:s9], $0x2FFFF;
	_ =	strace $0x9FFFFFFF  }
0xc6: {  	(tm) =	ssettm $0x7FFFFFFF  }
0xc7: {  	_ =	shalt  }
tec
execute0_lowered:
.L_overlay_start_1:
0x0: {  	(tag) =	ssettag $0x1  }
0x1: {  	v0 =	vimm.s32 $0xFEDCBA98;
	v1 =	vimm.s32 $0x76543210  }
0x2: {  	v2 =	vimm.s32 $0xBA98FEDC;
	v3 =	vimm.s32 $0x32107654;
	v4 =	vimm.s32 $0xDCFE98BA  }
0x3: {  	v5 =	vimm.s32 $0x54761032;
	v6 =	vimm.s32 $0xEFCDAB89;
	v7 =	vimm.s32 $0x67452301  }
0x4: {  	s5 =	rddreg [dreg:$0x0];
	vm0 =	vmmov $0x1;
	vm1 =	vmmov $0x3;
	vm2 =	vmmov $0x7  }
0x5: {  	s6 =	rddreg [dreg:$0x1];
	vm3 =	vmmov $0xf;
	vm4 =	vmmov $0x1f;
	vm5 =	vmmov $0x3f  }
0x6: {  	s4 =	rddreg [dreg:$0x2];
	vm6 =	vmmov $0x7f;
	vm7 =	vmmov $0xff;
	vm8 =	vmmov $0x1ff  }
0x7: {  	s7 =	rddreg [dreg:$0x3];
	vm9 =	vmmov $0x3ff;
	vm10 =	vmmov $0x7ff;
	vm11 =	vmmov $0xfff  }
0x8: {  	s0 =	rddreg [dreg:$0x4];
	s1 =	simm.s32 $0x0;
	s2 =	srdreg.scid;
	v0 =	vunpack.c.l.s4.s8 v0;
	v1 =	vunpack.c.l.s4.s8 v1;
	v2 =	vunpack.c.l.s4.s8 v2  }
0x9: {  	s12 =	simm.s32 $0x4400;
	s13 =	simm.s32 $0x1;
	s14 =	simm.s32 $0x2;
	v3 =	vunpack.c.l.s4.s8 v3;
	v4 =	vunpack.c.l.s4.s8 v4;
	v5 =	vunpack.c.l.s4.s8 v5  }
0xa: {  	s15 =	simm.s32 $0x8400;
	s16 =	simm.s32 $0x0;
	v6 =	vunpack.c.l.s4.s8 v6;
	v7 =	vunpack.c.l.s4.s8 v7;
	[smem:$0x7FF] =	sst s1;
	v0 =	vunpack.c.0.s8.s32 v0  }
0xb: {  	s8 =	sand.u32 $0x1, s2;
	s3 =	sadd.s32 $0xF42800, s4;
	s2 =	stileid.u32;
	v2 =	vunpack.c.0.s8.s32 v2;
	v3 =	vunpack.c.0.s8.s32 v3;
	v4 =	vunpack.c.0.s8.s32 v4  }
0xc: {  	s4 =	sadd.s32 $0x1313200, s4;
	_ =	strace $0x80000047;
	s9 =	ssub.s32 $0x2, s8;
	v5 =	vunpack.c.0.s8.s32 v5;
	v6 =	vunpack.c.0.s8.s32 v6;
	v7 =	vunpack.c.0.s8.s32 v7  }
0xd: {  	vm12 =	vmmov $0x1fff;
	s11 =	sshll.u32 s2, $0x7;
	s8 =	sshll.u32 s8, $0x6;
	v1 =	vunpack.c.0.s8.s32 v1;
	s10 =	sshrl.u32 s9, $0x1;
	v2 =	vcombine.low v3, v2  }
0xe: {  	s8 =	sor.u32 s8, s11;
	s11 =	simm.s32 $0x400;
	s9 =	ssub.s32 s9, s10;
	v3 =	vcombine.low v5, v4;
	v4 =	vcombine.low v7, v6;
	v0 =	vand.u32 $0xF, v0  }
0xf: {  	vm13 =	vmmov $0x3fff;
	vm14 =	vmmov $0x7fff;
	s5 =	sadd.s32 s5, s8;
	s6 =	sadd.s32 s6, s8;
	s7 =	sadd.s32 s7, s8;
	v0 =	vcombine.low v0, v1  }
0x10: {  	s10 =	simm.s32 $0x200;
	s8 =	smax.u32 s9, $0x1;
	s9 =	simm.s32 $0x3;
	v1 =	vand.u32 $0xF, v2;
	v2 =	vand.u32 $0xF, v3;
	v3 =	vand.u32 $0xF, v4  }
.LBB2_1:
0x11: {  	[tilespmem:s1], [sflag:$0x3] =	stream.linear.gather [hbm4b:s5+s1], $0x200, $0x38;
	[tilespmem:$0x8600] =	vst v63  }
0x12: {  	_ =	swait.ge [sflag:s9], $0x200  }
0x13: {  	[sflag:s9] =	ssyncset.done $0x0  }
0x14: {  	[sflag:s9] =	ssyncadd.s32 $0xFFFFFE00  }
0x15: {  	[tilespmem:s10], [sflag:$0x3] =	stream.linear.gather [hbm4b:s6+s1], $0x200, $0x38;
	[tilespmem:$0x8600] =	vst v63  }
0x16: {  	_ =	swait.ge [sflag:s9], $0x200  }
0x17: {  	[sflag:s9] =	ssyncset.done $0x0  }
0x18: {  	[sflag:s9] =	ssyncadd.s32 $0xFFFFFE00  }
0x19: {  	[tilespmem:s11], [sflag:$0x1] =	stream.indirect.gather [hbm4b:s3+s10], $0x20, s1, s10, $0xb8;
	[tilespmem:$0x8600] =	vst v63  }
0x1a: {  	_ = 	snop  }
0x1b: {  	[tilespmem:s12], [sflag:$0x2] =	stream.indirect.gather [hbm4b:s4+s10], $0x20, s10, s10, $0xb8;
	[tilespmem:$0x8600] =	vst v63  }
0x1c: {  	_ =	swait.ge [sflag:s13], $0x4000  }
0x1d: {  	[sflag:s13] =	ssyncset.done $0x0  }
0x1e: {  	[sflag:s13] =	ssyncadd.s32 $0xFFFFC000  }
0x1f: {  	_ =	swait.ge [sflag:s14], $0x4000  }
0x20: {  	[sflag:s14] =	ssyncset.done $0x0  }
0x21: {  	s18 =	simm.s32 $0x0;
	[sflag:s14] =	ssyncadd.s32 $0xFFFFC000  }
0x22: {  	v4 =	vld [tilespmem:s18+$0x44F0]  }
0x23: {  	v8 =	vld [tilespmem:s18+$0x4D0]  }
0x24: {  	v9 =	vld [tilespmem:s18+$0x44A0]  }
0x25: {  	v10 =	vld [tilespmem:s18+$0x44D0]  }
0x26: {  	v11 =	vld [tilespmem:s18+$0x4A0]  }
0x27: {  	v12 =	vld [tilespmem:s18+$0x4B0]  }
0x28: {  	v13 =	vld [tilespmem:s18+$0x44B0]  }
0x29: {  	v14 =	vld [tilespmem:s18+$0x4490]  }
0x2a: {  	v15 =	vld [tilespmem:s18+$0x480]  }
0x2b: {  	v16 =	vld [tilespmem:s18+$0x4480]  }
0x2c: {  	v17 =	vld [tilespmem:s18+$0x490]  }
0x2d: {  	v18 =	vld [tilespmem:s18+$0x4470]  }
0x2e: {  	v19 =	vld [tilespmem:s18+$0x4460]  }
0x2f: {  	v20 =	vld [tilespmem:s18+$0x460]  }
0x30: {  	v21 =	vld [tilespmem:s18+$0x470]  }
0x31: {  	v22 =	vld [tilespmem:s18+$0x4450]  }
0x32: {  	v23 =	vld [tilespmem:s18+$0x4440]  }
0x33: {  	v24 =	vld [tilespmem:s18+$0x440]  }
0x34: {  	v25 =	vld [tilespmem:s18+$0x4400]  }
0x35: {  	v26 =	vld [tilespmem:s18+$0x4410]  }
0x36: {  	v14 =	vmul.f32 v14, v17;
	v17 =	vld [tilespmem:s18+$0x4430]  }
0x37: {  	v15 =	vmul.f32 v16, v15;
	v16 =	vld [tilespmem:s18+$0x450]  }
0x38: {  	v9 =	vmul.f32 v9, v11;
	v11 =	vld [tilespmem:s18+$0x410]  }
0x39: {  	v12 =	vmul.f32 v13, v12;
	v13 =	vld [tilespmem:s18+$0x400]  }
0x3a: {  	v18 =	vmul.f32 v18, v21;
	v14 =	vadd.f32 v14, v15;
	v15 =	vmul.f32 v19, v20;
	v19 =	vld [tilespmem:s18+$0x4420]  }
0x3b: {  	v20 =	vld [tilespmem:s18+$0x420]  }
0x3c: {  	v21 =	vperm.xlane v14, v0;
	v15 =	vadd.f32 v18, v15;
	v18 =	vld [tilespmem:s18+$0x430]  }
0x3d: {  	v5 =	vld [tilespmem:s18+$0x510];
	v23 =	vmul.f32 v23, v24  }
0x3e: {  	v6 =	vld [tilespmem:s18+$0x4510];
	v8 =	vmul.f32 v10, v8;
	v16 =	vmul.f32 v22, v16;
	v14 =	vadd.f32 v14, v21  }
0x3f: {  	v7 =	vld [tilespmem:s18+$0x4C0];
	v13 =	vmul.f32 v25, v13;
	v11 =	vmul.f32 v26, v11  }
0x40: {  	v27 =	vld [tilespmem:s18+$0x44E0];
	v9 =	vadd.f32 v12, v9;
	v21 =	vperm.xlane v15, v0;
	v24 =	vperm.xlane v14, v1  }
0x41: {  	v19 =	vmul.f32 v19, v20;
	v16 =	vadd.f32 v16, v23;
	v17 =	vmul.f32 v17, v18;
	v18 =	vld [tilespmem:s18+$0x44C0]  }
0x42: {  	v20 =	vld [tilespmem:s18+$0x4E0];
	v15 =	vadd.f32 v15, v21;
	v21 =	vperm.xlane v9, v0;
	v14 =	vadd.f32 v14, v24  }
0x43: {  	v5 =	vmul.f32 v6, v5;
	v12 =	vld [tilespmem:s18+$0x4F0];
	v23 =	vperm.xlane v16, v0;
	v17 =	vadd.f32 v17, v19  }
0x44: {  	v22 =	vld [tilespmem:s18+$0x500];
	v11 =	vadd.f32 v11, v13;
	v9 =	vadd.f32 v9, v21;
	v19 =	vperm.xlane v14, v2  }
0x45: {  	v10 =	vperm.xlane v15, v1;
	v24 =	vld [tilespmem:s18+$0x4530];
	v16 =	vadd.f32 v16, v23;
	v6 =	vperm.xlane v17, v0  }
0x46: {  	v21 =	vld [tilespmem:s18+$0x520];
	v23 =	vperm.xlane v9, v1;
	v14 =	vadd.f32 v14, v19;
	v7 =	vmul.f32 v18, v7  }
0x47: {  	v20 =	vmul.f32 v27, v20;
	v15 =	vadd.f32 v15, v10;
	v19 =	vld [tilespmem:s18+$0x530];
	v6 =	vadd.f32 v17, v6  }
0x48: {  	v18 =	vld [tilespmem:s18+$0x4500];
	v17 =	vperm.xlane v14, v3;
	v7 =	vadd.f32 v8, v7;
	v8 =	vmul.f32 v4, v12  }
0x49: {  	v25 =	vperm.xlane v16, v1;
	v9 =	vadd.f32 v9, v23;
	v12 =	vld [tilespmem:s18+$0x4520];
	v13 =	vperm.xlane v6, v1  }
0x4a: {  	v4 =	vadd.f32 v14, v17;
	v14 =	vperm.xlane v7, v0;
	v8 =	vadd.f32 v8, v20  }
0x4b: {  	v23 =	vperm.xlane v11, v0;
	v17 =	vld [tilespmem:s18+$0x4550];
	v6 =	vadd.f32 v6, v13;
	v13 =	vadd.f32 v16, v25  }
0x4c: {  	v16 =	vmul.f32 v24, v19;
	v19 =	vld [tilespmem:s18+$0x550];
	v25 =	vperm.xlane v9, v2;
	v7 =	vadd.f32 v7, v14  }
0x4d: {  	v11 =	vadd.f32 v11, v23;
	v14 =	vmul.f32 v18, v22;
	v18 =	vld [tilespmem:s18+$0x4540];
	v23 =	vperm.xlane v8, v0  }
0x4e: {  	v22 =	vld [tilespmem:s18+$0x540];
	v12 =	vmul.f32 v12, v21;
	v21 =	vperm.xlane v7, v1  }
0x4f: {  	v26 =	vperm.xlane v15, v2;
	v9 =	vadd.f32 v9, v25;
	v14 =	vadd.f32 v5, v14  }
0x50: {  	v31 =	vld [tilespmem:s18+$0x4580];
	v20 =	vperm.xlane v6, v2;
	v8 =	vadd.f32 v8, v23;
	v7 =	vadd.f32 v7, v21  }
0x51: {  	v5 =	vadd.f32 v16, v12;
	v12 =	vperm.xlane v13, v2;
	v16 =	vld [tilespmem:s18+$0x570];
	v17 =	vmul.f32 v17, v19  }
0x52: {  	v6 =	vadd.f32 v6, v20;
	v21 =	vld [tilespmem:s18+$0x4570];
	v10 =	vperm.xlane v8, v1;
	v19 =	vperm.xlane v7, v2  }
0x53: {  	v24 =	vld [tilespmem:s18+$0x4560];
	v25 =	vperm.xlane v14, v0;
	v12 =	vadd.f32 v13, v12;
	v18 =	vmul.f32 v18, v22  }
0x54: {  	v23 =	vld [tilespmem:s18+$0x560];
	v27 =	vadd.f32 v8, v10;
	v7 =	vadd.f32 v7, v19;
	v19 =	vperm.xlane v5, v0  }
0x55: {  	v20 =	vperm.xlane v11, v1;
	v17 =	vadd.f32 v17, v18;
	v18 =	vadd.f32 v14, v25;
	v25 =	vld [tilespmem:s18+$0x580]  }
0x56: {  	v13 =	vperm.xlane v6, v3;
	v22 =	vperm.xlane v27, v2;
	v19 =	vadd.f32 v5, v19  }
0x57: {  	v16 =	vmul.f32 v21, v16;
	v21 =	vperm.xlane v7, v3  }
0x58: {  	v28 =	vld [tilespmem:s18+$0x45B0];
	v20 =	vadd.f32 v11, v20;
	v8 =	vadd.f32 v6, v13;
	v6 =	vperm.xlane v19, v1  }
0x59: {  	v29 =	vld [tilespmem:s18+$0x590];
	v13 =	vperm.xlane v9, v3;
	v5 =	vadd.f32 v7, v21;
	v21 =	vadd.f32 v27, v22  }
0x5a: {  	v30 =	vld [tilespmem:s18+$0x4590];
	v7 =	vmul.f32 v24, v23;
	v25 =	vmul.f32 v31, v25;
	v19 =	vadd.f32 v19, v6  }
0x5b: {  	v23 =	vld [tilespmem:s18+$0x5B0];
	v6 =	vperm.xlane v20, v2;
	v14 =	vperm.xlane v21, v3  }
0x5c: {  	v11 =	vld [tilespmem:s18+$0x45D0];
	v27 =	vadd.f32 v16, v7;
	v7 =	vadd.f32 v9, v13;
	v9 =	vperm.xlane v19, v2  }
0x5d: {  	v10 =	vld [tilespmem:s18+$0x45C0];
	v16 =	vperm.xlane v17, v0;
	v13 =	vadd.f32 v20, v6;
	v6 =	vadd.f32 v21, v14  }
0x5e: {  	v22 =	vld [tilespmem:s18+$0x5D0];
	v20 =	vperm.xlane v27, v0;
	v21 =	vperm.xlane v18, v1;
	v9 =	vadd.f32 v19, v9  }
0x5f: {  	v14 =	vld [tilespmem:s18+$0x5A0];
	v24 =	vadd.f32 v17, v16;
	v17 =	vadd.f32 v15, v26;
	v19 =	vperm.xlane v12, v3  }
0x60: {  	v16 =	vld [tilespmem:s18+$0x45A0];
	v15 =	vmul.f32 v28, v23;
	v23 =	vadd.f32 v18, v21;
	v18 =	vperm.xlane v9, v3  }
0x61: {  	v21 =	vadd.f32 v27, v20;
	v20 =	vld [tilespmem:s18+$0x5C0];
	v27 =	vperm.xlane v24, v1;
	v12 =	vadd.f32 v12, v19  }
0x62: {  	s19 =	simm.s32 $0x800;
	s20 =	simm.s32 $0x8400;
	s17 =	simm.s32 $0x8400;
	v19 =	vmul.f32 v30, v29;
	v26 =	vperm.xlane v23, v2;
	v9 =	vadd.f32 v9, v18;
	v18 =	vld [tilespmem:s18+$0x45E0]  }
.LBB2_2:
0x63: {  	p0 =	sne.s32 s19, $0xF800  }
0x64: {  	v24 =	vadd.f32 v24, v27;
	v27 =	vperm.xlane v21, v1;
	v11 =	vmul.f32 v11, v22;
	v22 =	vld [tilespmem:s18+$0x5F0];
	s20 =	sadd.s32 $0x10, s20;
	s21 =	smov.u32 s19;
	s19 =	sadd.s32 $0x800, s19  }
0x65: {  	v28 =	vperm.xlane v13, v3;
	v29 =	vperm.xlane v17, v3;
	v23 =	vadd.f32 v23, v26;
	v26 =	vld [tilespmem:s18+$0x5E0]  }
0x66: {  	v30 =	vperm.xlane v24, v2;
	v21 =	vadd.f32 v21, v27;
	v10 =	vmul.f32 v10, v20;
	v20 =	vld [tilespmem:s18+$0x45F0]  }
0x67: {  	v19 =	vadd.f32 v19, v25;
	v17 =	vadd.f32 v17, v29;
	v27 =	vperm.xlane v23, v3  }
0x68: {  	v14 =	vmul.f32 v16, v14;
	v13 =	vadd.f32 v13, v28;
	v24 =	vadd.f32 v24, v30  }
0x69: {  	v25 =	vperm.xlane v19, v0;
	v16 =	vadd.f32 v23, v27;
	v23 =	vperm.xlane v21, v2  }
0x6a: {  	v14 =	vadd.f32 v15, v14;
	v8 =	vsel vm0, v13, v8;
	v13 =	vperm.xlane v24, v3  }
0x6b: {  	v10 =	vadd.f32 v11, v10;
	v11 =	vmul.f32 v18, v26;
	v15 =	vmul.f32 v20, v22  }
0x6c: {  	v18 =	vadd.f32 v21, v23;
	v20 =	vperm.xlane v14, v0;
	v13 =	vadd.f32 v24, v13  }
0x6d: {  	v8 =	vsel vm1, v8, v12;
	v12 =	vperm.xlane v10, v0;
	v11 =	vadd.f32 v15, v11  }
0x6e: {  	v8 =	vsel vm2, v8, v17;
	v15 =	vadd.f32 v19, v25;
	v14 =	vadd.f32 v14, v20  }
0x6f: {  	v4 =	vsel vm3, v8, v4;
	v8 =	vadd.f32 v10, v12;
	v10 =	vperm.xlane v11, v0  }
0x70: {  	v4 =	vsel vm4, v4, v7;
	v7 =	vperm.xlane v15, v1;
	v12 =	vperm.xlane v14, v1  }
0x71: {  	v4 =	vsel vm5, v4, v5;
	v5 =	vperm.xlane v18, v3;
	v17 =	vperm.xlane v8, v1  }
0x72: {  	v4 =	vsel vm6, v4, v6;
	v6 =	vadd.f32 v15, v7;
	v7 =	vadd.f32 v14, v12  }
0x73: {  	v4 =	vsel vm7, v4, v16;
	v5 =	vadd.f32 v18, v5;
	v8 =	vadd.f32 v8, v17  }
0x74: {  	v4 =	vsel vm8, v4, v9;
	v9 =	vperm.xlane v6, v2;
	v12 =	vperm.xlane v7, v2  }
0x75: {  	v4 =	vsel vm9, v4, v13;
	v10 =	vadd.f32 v11, v10;
	v13 =	vperm.xlane v8, v2  }
0x76: {  	v6 =	vadd.f32 v6, v9;
	v7 =	vadd.f32 v7, v12  }
0x77: {  	v8 =	vadd.f32 v8, v13;
	v9 =	vperm.xlane v10, v1  }
0x78: {  	v11 =	vperm.xlane v6, v3;
	v12 =	vperm.xlane v7, v3  }
0x79: {  	v13 =	vperm.xlane v8, v3;
	v9 =	vadd.f32 v10, v9  }
0x7a: {  	v4 =	vsel vm10, v4, v5;
	v5 =	vadd.f32 v6, v11;
	v6 =	vadd.f32 v7, v12  }
0x7b: {  	v7 =	vadd.f32 v8, v13;
	v8 =	vperm.xlane v9, v2  }
0x7c: {  	v4 =	vsel vm11, v4, v5  }
0x7d: {  	v5 =	vadd.f32 v9, v8;
	v4 =	vsel vm12, v4, v6  }
0x7e: {  	v4 =	vsel vm13, v4, v7  }
0x7f: {  	v6 =	vperm.xlane v5, v3;
	_ =	sdelay $0x1  }
0x80: {  	v5 =	vadd.f32 v5, v6;
	_ =	sdelay $0x1  }
0x81: {  	v4 =	vsel vm14, v4, v5  }
0x82: {  	v4 =	vsub.f32 $0.0e+00, v4;
	_ =	sdelay $0x1  }
0x83: {  	v4 =	vmul.f32 $1.442695020e+00, v4;
	_ =	sdelay $0x1  }
0x84: {  	(erf) = vpow2.f32 v4;
	_ =	sdelay $0x8  }
0x85: {  	v4 =	vpop (erf)  }
0x86: {  	v4 =	vadd.f32 $1.000000000e+00, v4;
	_ =	sdelay $0x1  }
0x87: {  	(erf) = vrcp.f32 v4;
	_ =	sdelay $0x8  }
0x88: {  	v4 =	vpop (erf)  }
0x89: {  	s18 =	sshra.s32 s21, $0x2;
	[tilespmem:s17+$0x0] =	vst v4;
	s17 =	smov.u32 s20  }
0x8a: {  	v4 =	vld [tilespmem:s18+$0x44F0]  }
0x8b: {  	v5 =	vld [tilespmem:s18+$0x510]  }
0x8c: {  	v6 =	vld [tilespmem:s18+$0x4510]  }
0x8d: {  	v7 =	vld [tilespmem:s18+$0x4C0]  }
0x8e: {  	v8 =	vld [tilespmem:s18+$0x4D0]  }
0x8f: {  	v9 =	vld [tilespmem:s18+$0x44A0]  }
0x90: {  	v10 =	vld [tilespmem:s18+$0x44D0]  }
0x91: {  	v11 =	vld [tilespmem:s18+$0x4A0]  }
0x92: {  	v12 =	vld [tilespmem:s18+$0x4B0]  }
0x93: {  	v13 =	vld [tilespmem:s18+$0x44B0]  }
0x94: {  	v14 =	vld [tilespmem:s18+$0x4490]  }
0x95: {  	v15 =	vld [tilespmem:s18+$0x480]  }
0x96: {  	v16 =	vld [tilespmem:s18+$0x4480];
	v9 =	vmul.f32 v9, v11  }
0x97: {  	v11 =	vld [tilespmem:s18+$0x490]  }
0x98: {  	v17 =	vld [tilespmem:s18+$0x4470]  }
0x99: {  	v18 =	vld [tilespmem:s18+$0x4460]  }
0x9a: {  	v19 =	vld [tilespmem:s18+$0x460]  }
0x9b: {  	v20 =	vld [tilespmem:s18+$0x470]  }
0x9c: {  	v21 =	vld [tilespmem:s18+$0x4450]  }
0x9d: {  	v11 =	vmul.f32 v14, v11;
	v22 =	vld [tilespmem:s18+$0x4440]  }
0x9e: {  	v14 =	vld [tilespmem:s18+$0x440]  }
0x9f: {  	v23 =	vld [tilespmem:s18+$0x4400];
	v18 =	vmul.f32 v18, v19  }
0xa0: {  	v15 =	vmul.f32 v16, v15;
	v19 =	vld [tilespmem:s18+$0x4430];
	v17 =	vmul.f32 v17, v20  }
0xa1: {  	v16 =	vld [tilespmem:s18+$0x450]  }
0xa2: {  	v11 =	vadd.f32 v11, v15;
	v20 =	vld [tilespmem:s18+$0x4410];
	v17 =	vadd.f32 v17, v18  }
0xa3: {  	v15 =	vld [tilespmem:s18+$0x4420];
	v14 =	vmul.f32 v22, v14  }
0xa4: {  	v24 =	vperm.xlane v11, v0;
	v18 =	vld [tilespmem:s18+$0x420];
	v22 =	vperm.xlane v17, v0  }
0xa5: {  	v12 =	vmul.f32 v13, v12;
	v25 =	vld [tilespmem:s18+$0x430]  }
0xa6: {  	v11 =	vadd.f32 v11, v24;
	v13 =	vld [tilespmem:s18+$0x410];
	v16 =	vmul.f32 v21, v16;
	v17 =	vadd.f32 v17, v22  }
0xa7: {  	v9 =	vadd.f32 v12, v9;
	v21 =	vld [tilespmem:s18+$0x400]  }
0xa8: {  	v12 =	vadd.f32 v16, v14;
	v14 =	vperm.xlane v11, v1;
	v16 =	vld [tilespmem:s18+$0x44E0]  }
0xa9: {  	v8 =	vmul.f32 v10, v8;
	v15 =	vmul.f32 v15, v18;
	v10 =	vld [tilespmem:s18+$0x4F0]  }
0xaa: {  	v18 =	vmul.f32 v19, v25;
	v11 =	vadd.f32 v11, v14;
	v14 =	vld [tilespmem:s18+$0x44C0]  }
0xab: {  	v22 =	vperm.xlane v9, v0;
	v19 =	vperm.xlane v17, v1;
	v24 =	vld [tilespmem:s18+$0x4E0]  }
0xac: {  	v21 =	vmul.f32 v23, v21;
	v15 =	vadd.f32 v18, v15;
	v18 =	vperm.xlane v11, v2;
	v23 =	vld [tilespmem:s18+$0x500]  }
0xad: {  	v5 =	vmul.f32 v6, v5;
	v25 =	vperm.xlane v12, v0;
	v6 =	vld [tilespmem:s18+$0x4530]  }
0xae: {  	v9 =	vadd.f32 v9, v22;
	v26 =	vperm.xlane v15, v0;
	v11 =	vadd.f32 v11, v18;
	v18 =	vld [tilespmem:s18+$0x530]  }
0xaf: {  	v13 =	vmul.f32 v20, v13;
	v12 =	vadd.f32 v12, v25;
	v7 =	vmul.f32 v14, v7;
	v14 =	vld [tilespmem:s18+$0x4500]  }
0xb0: {  	v22 =	vperm.xlane v9, v1;
	v15 =	vadd.f32 v15, v26;
	v20 =	vperm.xlane v11, v3;
	v25 =	vld [tilespmem:s18+$0x520]  }
0xb1: {  	v13 =	vadd.f32 v13, v21;
	v7 =	vadd.f32 v8, v7;
	v8 =	vmul.f32 v4, v10;
	v10 =	vld [tilespmem:s18+$0x4520]  }
0xb2: {  	v26 =	vperm.xlane v12, v1;
	v21 =	vperm.xlane v15, v1;
	v4 =	vadd.f32 v11, v20;
	v11 =	vld [tilespmem:s18+$0x4550]  }
0xb3: {  	v9 =	vadd.f32 v9, v22;
	v16 =	vmul.f32 v16, v24;
	v20 =	vperm.xlane v7, v0;
	v22 =	vld [tilespmem:s18+$0x4540]  }
0xb4: {  	v12 =	vadd.f32 v12, v26;
	v6 =	vmul.f32 v6, v18;
	v15 =	vadd.f32 v15, v21;
	v18 =	vld [tilespmem:s18+$0x550]  }
0xb5: {  	v21 =	vperm.xlane v13, v0;
	v14 =	vmul.f32 v14, v23;
	v7 =	vadd.f32 v7, v20;
	v20 =	vld [tilespmem:s18+$0x540]  }
0xb6: {  	v8 =	vadd.f32 v8, v16;
	v23 =	vperm.xlane v15, v2;
	v10 =	vmul.f32 v10, v25;
	v16 =	vld [tilespmem:s18+$0x560]  }
0xb7: {  	v13 =	vadd.f32 v13, v21;
	v21 =	vperm.xlane v12, v2;
	v24 =	vperm.xlane v7, v1;
	v25 =	vld [tilespmem:s18+$0x4560]  }
0xb8: {  	v26 =	vperm.xlane v8, v0;
	v14 =	vadd.f32 v5, v14;
	v5 =	vadd.f32 v6, v10;
	v6 =	vld [tilespmem:s18+$0x570]  }
0xb9: {  	v10 =	vperm.xlane v13, v1;
	v15 =	vadd.f32 v15, v23;
	v7 =	vadd.f32 v7, v24;
	v23 =	vld [tilespmem:s18+$0x4570]  }
0xba: {  	v8 =	vadd.f32 v8, v26;
	v12 =	vadd.f32 v12, v21;
	v18 =	vmul.f32 v11, v18  }
0xbb: {  	v17 =	vadd.f32 v17, v19;
	v21 =	vperm.xlane v15, v3;
	v11 =	vperm.xlane v7, v2  }
0xbc: {  	v19 =	vperm.xlane v9, v2;
	v13 =	vadd.f32 v13, v10;
	v10 =	vperm.xlane v8, v1  }
0xbd: {  	v26 =	vperm.xlane v17, v2;
	v24 =	vperm.xlane v5, v0;
	v7 =	vadd.f32 v7, v11  }
0xbe: {  	v20 =	vmul.f32 v22, v20;
	v27 =	vadd.f32 v8, v10;
	v6 =	vmul.f32 v23, v6;
	v11 =	vld [tilespmem:s18+$0x45D0]  }
0xbf: {  	v16 =	vmul.f32 v25, v16;
	v23 =	vadd.f32 v5, v24;
	v22 =	vperm.xlane v7, v3;
	v10 =	vld [tilespmem:s18+$0x45C0]  }
0xc0: {  	v9 =	vadd.f32 v9, v19;
	v19 =	vperm.xlane v27, v2;
	v24 =	vperm.xlane v14, v0;
	v25 =	vld [tilespmem:s18+$0x45B0]  }
0xc1: {  	v8 =	vadd.f32 v15, v21;
	v5 =	vadd.f32 v7, v22;
	v7 =	vperm.xlane v23, v1;
	v28 =	vld [tilespmem:s18+$0x590]  }
0xc2: {  	v18 =	vadd.f32 v18, v20;
	v15 =	vadd.f32 v27, v19;
	v29 =	vld [tilespmem:s18+$0x580]  }
0xc3: {  	v19 =	vperm.xlane v9, v3;
	v20 =	vadd.f32 v14, v24;
	v21 =	vadd.f32 v23, v7;
	v23 =	vld [tilespmem:s18+$0x5B0]  }
0xc4: {  	v14 =	vperm.xlane v13, v2;
	v27 =	vadd.f32 v6, v16;
	v22 =	vperm.xlane v15, v3;
	v30 =	vld [tilespmem:s18+$0x4590]  }
0xc5: {  	v16 =	vperm.xlane v18, v0;
	v7 =	vadd.f32 v9, v19;
	v9 =	vperm.xlane v21, v2;
	v31 =	vld [tilespmem:s18+$0x4580]  }
0xc6: {  	v13 =	vadd.f32 v13, v14;
	v19 =	vperm.xlane v27, v0;
	v6 =	vadd.f32 v15, v22;
	v14 =	vld [tilespmem:s18+$0x5A0]  }
.Ltmp0:
0xc7: {  	v32 =	vperm.xlane v20, v1;
	v24 =	vadd.f32 v18, v16;
	v9 =	vadd.f32 v21, v9;
	v22 =	vld [tilespmem:s18+$0x5D0];
	(pc) =	sbr.rel @p0 .LBB2_2-.Ltmp0, $4  }
0xc8: {  	v17 =	vadd.f32 v17, v26;
	v18 =	vperm.xlane v12, v3;
	v16 =	vld [tilespmem:s18+$0x45A0];
	v15 =	vmul.f32 v25, v23  }
0xc9: {  	v21 =	vadd.f32 v27, v19;
	v23 =	vadd.f32 v20, v32;
	v25 =	vperm.xlane v9, v3;
	v20 =	vld [tilespmem:s18+$0x5C0]  }
0xca: {  	v12 =	vadd.f32 v12, v18;
	v27 =	vperm.xlane v24, v1;
	v19 =	vmul.f32 v30, v28  }
0xcb: {  	v26 =	vperm.xlane v23, v2;
	v9 =	vadd.f32 v9, v25;
	v25 =	vmul.f32 v31, v29;
	v18 =	vld [tilespmem:s18+$0x45E0]  }
0xcc: {  	v28 =	vld [tilespmem:s18+$0x5F0]  }
0xcd: {  	v63 =	vperm.xlane v21, v1;
	v29 =	vld [tilespmem:s18+$0x5E0];
	v11 =	vmul.f32 v11, v22  }
0xce: {  	v24 =	vadd.f32 v24, v27;
	v33 =	vperm.xlane v17, v3;
	v34 =	vld [tilespmem:s18+$0x45F0];
	v30 =	vperm.xlane v13, v3  }
0xcf: {  	v23 =	vadd.f32 v23, v26;
	v19 =	vadd.f32 v19, v25;
	v14 =	vmul.f32 v16, v14  }
0xd0: {  	v21 =	vadd.f32 v21, v63;
	v35 =	vperm.xlane v24, v2;
	v10 =	vmul.f32 v10, v20  }
0xd1: {  	v17 =	vadd.f32 v17, v33;
	v13 =	vadd.f32 v13, v30;
	v36 =	vperm.xlane v23, v3  }
0xd2: {  	v14 =	vadd.f32 v15, v14;
	v41 =	vperm.xlane v19, v0;
	v38 =	vperm.xlane v21, v2  }
0xd3: {  	v37 =	vadd.f32 v24, v35;
	v39 =	vmul.f32 v18, v29;
	v40 =	vmul.f32 v34, v28  }
0xd4: {  	v10 =	vadd.f32 v11, v10;
	v8 =	vsel vm0, v13, v8;
	v20 =	vadd.f32 v23, v36  }
0xd5: {  	v42 =	vperm.xlane v14, v0;
	v46 =	vadd.f32 v19, v41;
	v43 =	vadd.f32 v40, v39  }
0xd6: {  	v8 =	vsel vm1, v8, v12;
	v24 =	vperm.xlane v37, v3;
	v45 =	vperm.xlane v10, v0  }
0xd7: {  	v47 =	vadd.f32 v21, v38;
	v11 =	vadd.f32 v14, v42;
	v48 =	vperm.xlane v43, v0  }
0xd8: {  	v8 =	vsel vm2, v8, v17;
	v49 =	vperm.xlane v46, v1;
	v10 =	vadd.f32 v10, v45  }
0xd9: {  	v4 =	vsel vm3, v8, v4;
	v50 =	vperm.xlane v11, v1;
	v13 =	vadd.f32 v43, v48  }
0xda: {  	v44 =	vadd.f32 v37, v24;
	v12 =	vadd.f32 v46, v49;
	v51 =	vperm.xlane v10, v1  }
0xdb: {  	v4 =	vsel vm4, v4, v7;
	v52 =	vadd.f32 v11, v50;
	v53 =	vperm.xlane v13, v1  }
0xdc: {  	v4 =	vsel vm5, v4, v5;
	v54 =	vperm.xlane v12, v2;
	v5 =	vadd.f32 v10, v51  }
0xdd: {  	v55 =	vperm.xlane v47, v3;
	v56 =	vperm.xlane v52, v2;
	v11 =	vadd.f32 v13, v53  }
0xde: {  	v4 =	vsel vm6, v4, v6;
	v8 =	vadd.f32 v12, v54;
	v57 =	vperm.xlane v5, v2  }
0xdf: {  	v4 =	vsel vm7, v4, v20;
	v7 =	vadd.f32 v52, v56;
	v58 =	vperm.xlane v11, v2  }
0xe0: {  	v10 =	vadd.f32 v47, v55;
	v59 =	vperm.xlane v8, v3;
	v5 =	vadd.f32 v5, v57  }
0xe1: {  	v4 =	vsel vm8, v4, v9;
	v60 =	vperm.xlane v7, v3;
	v11 =	vadd.f32 v11, v58  }
0xe2: {  	v4 =	vsel vm9, v4, v44;
	v6 =	vadd.f32 v8, v59;
	v61 =	vperm.xlane v5, v3  }
0xe3: {  	v4 =	vsel vm10, v4, v10;
	v7 =	vadd.f32 v7, v60;
	v62 =	vperm.xlane v11, v3  }
0xe4: {  	v4 =	vsel vm11, v4, v6;
	v5 =	vadd.f32 v5, v61  }
0xe5: {  	v4 =	vsel vm12, v4, v7;
	v63 =	vadd.f32 v11, v62  }
0xe6: {  	v4 =	vsel vm13, v4, v5  }
0xe7: {  	v4 =	vsel vm14, v4, v63  }
0xe8: {  	v4 =	vsub.f32 $0.0e+00, v4;
	_ =	sdelay $0x1  }
0xe9: {  	v4 =	vmul.f32 $1.442695020e+00, v4;
	_ =	sdelay $0x1  }
0xea: {  	(erf) = vpow2.f32 v4;
	_ =	sdelay $0x8  }
0xeb: {  	v4 =	vpop (erf)  }
0xec: {  	v4 =	vadd.f32 $1.000000000e+00, v4;
	_ =	sdelay $0x1  }
0xed: {  	(erf) = vrcp.f32 v4;
	_ =	sdelay $0x7  }
0xee: {  	s16 =	sadd.s32 $0x1, s16  }
0xef: {  	p0 =	sne.s32 s16, s8;
	v4 =	vpop (erf)  }
.Ltmp1:
0xf0: {  	[tilespmem:s17+$0x0] =	vst v4;
	(pc) =	sbr.rel @p0 .LBB2_1-.Ltmp1, $4  }
0xf1: {  	[hbm4b:s7+s1] =	stream.linear.scatter [tilespmem:s15], [sflag:$0x3], $0x200, $0x38;
	[tilespmem:$0x8600] =	vst v63  }
0xf2: {  	_ =	swait.ge [sflag:s9], $0x200  }
0xf3: {  	[sflag:s9] =	ssyncset.done $0x0  }
0xf4: {  	[sflag:s9] =	ssyncadd.s32 $0xFFFFFE00  }
0xf5: {  	_ =	sfence.sel $0x180000  }
0xf6: {  	[bflag:$0x0] =	sbarrier.arrive $0xFFFF  }
0xf7: {  	p0 =	sne.s32 s2, $0x0;
	_ =	strace $0x90000047  }
0xf8: {  	s0 =	sadd.s32 @!p0 $0x100000, s0;
	[bflag:$0x2] =	sbarrier.arrive $0xFFFF  }
0xf9: {  	[sflag:s0] =	ssyncadd.tile.s32 @!p0 $0x1;
	_ =	shalt  }
.Lfunc_end2:
_tile_overlayer_lowered:
.L_overlay_start_2:
0xfa: {  	(tag) =	ssettag $0x2  }
0xfb: {  	s0 =	rddreg [dreg:$0x0];
	s2 =	stileid.u32  }
0xfc: {  	s1 =	rddreg [dreg:$0x1];
	p0 =	sne.s32 s2, $0x0  }
0xfd: {  	s3 =	rddreg [dreg:$0x2];
	[bflag:$0x3] =	sbarrier.arrive $0xFFFF;
	s2 =	simm.s32 @!p0 $0x1C03  }
0xfe: {  	[timem:s3], [sflag:s2] =	dma.local @!p0 [hbm:s0], s1  }
0xff: {  	s0 =	simm.s32 @!p0 $0x3  }
0x100: {  	_ =	swait.ge @!p0 [sflag:s0], s1  }
0x101: {  	s1 =	ssub.s32 @!p0 $0x0, s1;
	[sflag:s0] =	ssyncset.done @!p0 $0x0  }
0x102: {  	[sflag:s0] =	ssyncadd.s32 @!p0 s1  }
0x103: {  	[bflag:$0x3] =	sbarrier.arrive $0xFFFF  }
0x104: {  	_ =	shalt  }

</sc_bundles>
